<compile_context>
chip_gen: v7x
topology: tpu7x:2x2x1
jax: 0.10.2.dev20260603
libtpu: 0.0.44.dev20260713+nightly
codegen_flags: <defaults>
</compile_context>

<pallas_src>
import functools
import math

import jax
import jax.numpy as jnp
from jax import lax
from jax.experimental import pallas as pl
from jax.experimental.pallas import tpu as pltpu
from jax.experimental.pallas import tpu_sc as plsc

_DX = 1.0 / 64.0
_WEIGHT = 10.0
_E_IN = 2.0
_GCONST = 1.0 / (_E_IN * 4.0 * math.pi)

_LANE = 128
_NC = 2
_NS = 16
_NW = _NC * _NS


def _sc_gather(flat1d, idx5d):
    _, nb, parts, rows_p, _ = idx5d.shape
    assert 2 * nb * parts == _NW
    mesh = plsc.VectorSubcoreMesh(core_axis_name="c", subcore_axis_name="s")

    @functools.partial(
        pl.kernel,
        mesh=mesh,
        out_type=jax.ShapeDtypeStruct(idx5d.shape, jnp.float32),
        scratch_types=[
            pltpu.VMEM((rows_p, _LANE), jnp.int32),
            pltpu.VMEM((rows_p, _LANE), jnp.float32),
            pltpu.SemaphoreType.DMA,
        ],
    )
    def gather_kernel(flat_hbm, idx_hbm, out_hbm, idx_v, val_v, sem):
        wid = lax.axis_index("s") * _NC + lax.axis_index("c")
        kind = wid // (nb * parts)
        b = (wid // parts) % nb
        part = wid % parts
        pltpu.sync_copy(idx_hbm.at[kind].at[b].at[part], idx_v)
        copies = [
            pltpu.async_copy(flat_hbm.at[idx_v.at[k]], val_v.at[k], sem)
            for k in range(rows_p)
        ]
        for c in copies:
            c.wait()
        pltpu.sync_copy(val_v, out_hbm.at[kind].at[b].at[part])

    return gather_kernel(flat1d, idx5d)


def _tc_gfield(idx3d, q, xqx, xqy, xqz):
    nq = q.shape[0]
    shape3d = idx3d.shape
    unroll = 4

    def body(idx_ref, q_ref, xqx_ref, xqy_ref, xqz_ref, g_ref):
        idx = idx_ref[...]
        px = (idx >> 12).astype(jnp.float32) * _DX
        py = ((idx >> 6) & 63).astype(jnp.float32) * _DX
        pz = (idx & 63).astype(jnp.float32) * _DX

        def charge(jj, acc):
            j0 = jj * unroll
            for u in range(unroll):
                j = j0 + u
                dx = px - xqx_ref[j]
                dy = py - xqy_ref[j]
                dz = pz - xqz_ref[j]
                r2 = dx * dx + dy * dy + dz * dz
                acc = acc + q_ref[j] * lax.rsqrt(r2)
            return acc

        g = lax.fori_loop(0, nq // unroll, charge,
                          jnp.zeros(shape3d, jnp.float32))
        g_ref[...] = g * jnp.float32(_GCONST)

    return pl.pallas_call(
        body,
        out_shape=jax.ShapeDtypeStruct(shape3d, jnp.float32),
        in_specs=[
            pl.BlockSpec(memory_space=pltpu.VMEM),
            pl.BlockSpec(memory_space=pltpu.SMEM),
            pl.BlockSpec(memory_space=pltpu.SMEM),
            pl.BlockSpec(memory_space=pltpu.SMEM),
            pl.BlockSpec(memory_space=pltpu.SMEM),
        ],
        out_specs=pl.BlockSpec(memory_space=pltpu.VMEM),
    )(idx3d, q, xqx, xqy, xqz)


def _tc_combine(vals, g3d, n, nb):
    parts, rows_p, _ = g3d.shape
    slab = rows_p * _LANE

    def body(vals_ref, g_ref, out_ref):
        shape2d = (rows_p, _LANE)
        rows = lax.broadcasted_iota(jnp.int32, shape2d, 0)
        cols = lax.broadcasted_iota(jnp.int32, shape2d, 1)
        pos = rows * _LANE + cols

        total = jnp.float32(0.0)
        for p in range(parts):
            g = g_ref[p]
            valid = pos + p * slab < n
            for b in range(nb):
                t = vals_ref[0, b, p] + g - vals_ref[1, b, p]
                t = jnp.where(valid, t, jnp.float32(0.0))
                total = total + jnp.sum(t * t)
        out_ref[0, 0] = total * jnp.float32(_WEIGHT / (n * nb))

    out = pl.pallas_call(
        body,
        out_shape=jax.ShapeDtypeStruct((1, 1), jnp.float32),
        in_specs=[
            pl.BlockSpec(memory_space=pltpu.VMEM),
            pl.BlockSpec(memory_space=pltpu.VMEM),
        ],
        out_specs=pl.BlockSpec(memory_space=pltpu.SMEM),
    )(vals, g3d)
    return out[0, 0]


def kernel(output, q, xq, points, inner_idx, outer_idx, x_idx, y_idx, z_idx,
           normal_x, normal_y, normal_z):
    nb = output.shape[0]
    ngrid = output.shape[2] * output.shape[3] * output.shape[4]
    n = inner_idx.shape[0]

    parts = _NW // (2 * nb)
    seg = -(-n // (parts * _LANE)) * (parts * _LANE)
    rows_p = seg // (parts * _LANE)
    pad = seg - n

    zpad = jnp.zeros((pad,), jnp.int32)
    idx_in = jnp.concatenate([inner_idx, zpad]).reshape(parts, rows_p, _LANE)
    idx_out = jnp.concatenate([outer_idx, zpad]).reshape(parts, rows_p, _LANE)
    offs = (jnp.arange(nb, dtype=jnp.int32) * ngrid).reshape(nb, 1, 1, 1)
    idx5d = jnp.stack([idx_in, idx_out])[:, None] + offs[None]

    flat1d = output.reshape(nb * ngrid)
    gathered = _sc_gather(flat1d, idx5d)
    g3d = _tc_gfield(idx_in, q, xq[:, 0], xq[:, 1], xq[:, 2])

    return _tc_combine(gathered, g3d, n, nb)

# --- scband reference (transcript-rebuilt; emitter-appended) ---
"""Pipeline reference for scband-interface-boundary-loss-47931835024050 (READ-ONLY COPY).

The authoritative reference and input builder live on the scoring server;
editing this copy changes nothing except your own understanding.
"""

import jax, jax.numpy as jnp
import numpy as np

NX = NY = NZ = 64
B = 4
NQ = 64
DX = DY = DZ = 1.0 / 64.0
CENTER = (0.5, 0.5, 0.5)
RADIUS = 0.25
E_IN = 2.0
WEIGHT = 10.0


def _build_geometry():
    xs = np.arange(NX) * DX
    ys = np.arange(NY) * DY
    zs = np.arange(NZ) * DZ
    X, Y, Z = np.meshgrid(xs, ys, zs, indexing='ij')
    pts = np.stack([X.ravel(), Y.ravel(), Z.ravel()], axis=1).astype(np.float32)
    dist = np.sqrt((X - CENTER[0]) ** 2 + (Y - CENTER[1]) ** 2 + (Z - CENTER[2]) ** 2)
    interior = np.zeros((NX, NY, NZ), dtype=bool)
    interior[1:-1, 1:-1, 1:-1] = True
    boundary = (np.abs(dist - RADIUS) < 0.6 * DX) & interior
    inner = (dist < RADIUS - DX) & interior
    outer = (dist > RADIUS + DX) & interior
    in_idx = np.flatnonzero(inner.ravel())
    out_idx = np.flatnonzero(outer.ravel())
    n = min(len(in_idx), len(out_idx))
    in_idx = in_idx[:n]
    out_idx = out_idx[:n]
    bx, by, bz = np.nonzero(boundary)
    xn = bx * DX - CENTER[0]
    yn = by * DY - CENTER[1]
    zn = bz * DZ - CENTER[2]
    norm = np.sqrt(xn ** 2 + yn ** 2 + zn ** 2)
    nx = (xn / norm).astype(np.float32)
    ny = (yn / norm).astype(np.float32)
    nz = (zn / norm).astype(np.float32)
    return pts, in_idx, out_idx, bx, by, bz, nx, ny, nz


def setup_inputs(seed: int = 0):
    key = jax.random.key(seed)
    k1, k2, k3 = jax.random.split(key, 3)
    pts, in_idx, out_idx, bx, by, bz, nxn, nyn, nzn = _build_geometry()
    output = jax.random.normal(k1, (B, 1, NX, NY, NZ), dtype=jnp.float32)
    q = jax.random.normal(k2, (NQ,), dtype=jnp.float32)
    xq = jax.random.uniform(k3, (NQ, 3), dtype=jnp.float32) * 0.3 + 0.35
    return {
        'output': output,
        'q': q,
        'xq': xq,
        'points': jnp.asarray(pts),
        'inner_idx': jnp.asarray(in_idx, dtype=jnp.int32),
        'outer_idx': jnp.asarray(out_idx, dtype=jnp.int32),
        'x_idx': jnp.asarray(bx, dtype=jnp.int32),
        'y_idx': jnp.asarray(by, dtype=jnp.int32),
        'z_idx': jnp.asarray(bz, dtype=jnp.int32),
        'normal_x': jnp.asarray(nxn),
        'normal_y': jnp.asarray(nyn),
        'normal_z': jnp.asarray(nzn),
    }


def _G(X, q, xq, epsilon):
    r_diff = X[:, None, :] - xq[None, :, :]
    r = jnp.sqrt(jnp.sum(jnp.square(r_diff), axis=2))
    total_sum = jnp.sum(q[None, :] / r, axis=1)
    return (1.0 / (epsilon * 4.0 * jnp.pi)) * total_sum


def _normal_derivatives(f, x_idx, y_idx, z_idx, nx, ny, nz):
    c = f[:, x_idx, y_idx, z_idx]
    left = f[:, x_idx - 1, y_idx, z_idx]
    right = f[:, x_idx + 1, y_idx, z_idx]
    below = f[:, x_idx, y_idx - 1, z_idx]
    above = f[:, x_idx, y_idx + 1, z_idx]
    back = f[:, x_idx, y_idx, z_idx - 1]
    front = f[:, x_idx, y_idx, z_idx + 1]
    gx_in = jnp.where(nx > 0, (c - left) / DX, (right - c) / DX)
    gx_out = jnp.where(nx > 0, (-c + right) / DX, (c - left) / DX)
    gy_in = jnp.where(ny > 0, (c - below) / DY, (above - c) / DY)
    gy_out = jnp.where(ny > 0, (-c + above) / DY, (c - below) / DY)
    gz_in = jnp.where(nz > 0, (c - back) / DY, (front - c) / DY)
    gz_out = jnp.where(nz > 0, (-c + front) / DZ, (c - back) / DZ)
    nd_in = gx_in * nx + gy_in * ny + gz_in * nz
    nd_out = gx_out * nx + gy_out * ny + gz_out * nz
    return nd_in, nd_out


def reference(output, q, xq, points, inner_idx, outer_idx, x_idx, y_idx, z_idx, normal_x, normal_y, normal_z):
    data_norm = 1.0
    out = output / data_norm
    f = out[:, 0]
    flat = f.reshape(f.shape[0], -1)
    g = _G(points, q, xq, E_IN)
    molecule = flat[:, inner_idx] + g[inner_idx][None, :]
    target = flat[:, outer_idx]
    loss = jnp.mean(jnp.square(molecule - target))
    nd_in, nd_out = _normal_derivatives(f, x_idx, y_idx, z_idx, normal_x, normal_y, normal_z)
    _ = (nd_in, nd_out)
    return loss * WEIGHT

if __name__ == "__main__":
    import jax
    _d = setup_inputs()
    print(jax.jit(kernel)(*tuple(_d.values())))

</pallas_src>

<mosaic_0001>
#map = affine_map<(d0, d1) -> (0)>
#map1 = affine_map<(d0, d1) -> (0, 0, 0, 0, 0)>
module attributes {stable_mosaic.version = 14 : i64} {
  func.func @gather_kernel(%arg0: i32, %arg1: i32, %arg2: memref<1048576xf32, #tpu.memory_space<hbm>>, %arg3: memref<2x4x4x28x128xi32, #tpu.memory_space<hbm>>, %arg4: memref<2x4x4x28x128xf32, #tpu.memory_space<hbm>>, %arg5: memref<28x128xi32, #tpu.memory_space<vmem>>, %arg6: memref<28x128xf32, #tpu.memory_space<vmem>>, %arg7: memref<!tpu.dma_semaphore, #tpu.memory_space<semaphore_mem>>) attributes {dimension_semantics = [#tpu.dimension_semantics<core_parallel>, #tpu.dimension_semantics<subcore_parallel>], iteration_bounds = array<i64: 2, 16>, scalar_prefetch = 0 : i64, scratch_operands = 3 : i64, tpu.core_type = #tpu.core_type<sc_vector_subcore>, window_params = [{transform_indices = #map}, {transform_indices = #map1}, {transform_indices = #map1}]} {
    %mul3A = arith.constant 2 : i32
    %mul3A_0 = arith.muli %arg1, %mul3A : i32
    %add3A = arith.addi %mul3A_0, %arg0 : i32
    %jit3A = arith.constant 16 : i32
    %div3A = arith.divsi %add3A, %jit3A : i32
    %sign3A = arith.constant 0 : i32
    %sign3A_1 = arith.cmpi sgt, %add3A, %sign3A : i32
    %sign3A_2 = arith.extui %sign3A_1 : i1 to i32
    %sign3A_3 = arith.constant 0 : i32
    %sign3A_4 = arith.cmpi slt, %add3A, %sign3A_3 : i32
    %sign3A_5 = arith.extui %sign3A_4 : i1 to i32
    %sign3A_6 = arith.subi %sign3A_2, %sign3A_5 : i32
    %sign3A_7 = arith.constant 0 : i32
    %sign3A_8 = arith.cmpi sgt, %jit3A, %sign3A_7 : i32
    %sign3A_9 = arith.extui %sign3A_8 : i1 to i32
    %sign3A_10 = arith.constant 0 : i32
    %sign3A_11 = arith.cmpi slt, %jit3A, %sign3A_10 : i32
    %sign3A_12 = arith.extui %sign3A_11 : i1 to i32
    %sign3A_13 = arith.subi %sign3A_9, %sign3A_12 : i32
    %ne3A = arith.cmpi ne, %sign3A_6, %sign3A_13 : i32
    %rem3A = arith.remsi %add3A, %jit3A : i32
    %ne3A_14 = arith.constant 0 : i32
    %ne3A_15 = arith.cmpi ne, %rem3A, %ne3A_14 : i32
    %and3A = arith.andi %ne3A, %ne3A_15 : i1
    %sub3A = arith.constant 1 : i32
    %sub3A_16 = arith.subi %div3A, %sub3A : i32
    %select_n3A = arith.select %and3A, %sub3A_16, %div3A : i32
    %jit3A_17 = arith.constant 4 : i32
    %div3A_18 = arith.divsi %add3A, %jit3A_17 : i32
    %sign3A_19 = arith.constant 0 : i32
    %sign3A_20 = arith.cmpi sgt, %add3A, %sign3A_19 : i32
    %sign3A_21 = arith.extui %sign3A_20 : i1 to i32
    %sign3A_22 = arith.constant 0 : i32
    %sign3A_23 = arith.cmpi slt, %add3A, %sign3A_22 : i32
    %sign3A_24 = arith.extui %sign3A_23 : i1 to i32
    %sign3A_25 = arith.subi %sign3A_21, %sign3A_24 : i32
    %sign3A_26 = arith.constant 0 : i32
    %sign3A_27 = arith.cmpi sgt, %jit3A_17, %sign3A_26 : i32
    %sign3A_28 = arith.extui %sign3A_27 : i1 to i32
    %sign3A_29 = arith.constant 0 : i32
    %sign3A_30 = arith.cmpi slt, %jit3A_17, %sign3A_29 : i32
    %sign3A_31 = arith.extui %sign3A_30 : i1 to i32
    %sign3A_32 = arith.subi %sign3A_28, %sign3A_31 : i32
    %ne3A_33 = arith.cmpi ne, %sign3A_25, %sign3A_32 : i32
    %rem3A_34 = arith.remsi %add3A, %jit3A_17 : i32
    %ne3A_35 = arith.constant 0 : i32
    %ne3A_36 = arith.cmpi ne, %rem3A_34, %ne3A_35 : i32
    %and3A_37 = arith.andi %ne3A_33, %ne3A_36 : i1
    %sub3A_38 = arith.constant 1 : i32
    %sub3A_39 = arith.subi %div3A_18, %sub3A_38 : i32
    %select_n3A_40 = arith.select %and3A_37, %sub3A_39, %div3A_18 : i32
    %jit3A_41 = arith.constant 4 : i32
    %eq3A = arith.constant 0 : i32
    %eq3A_42 = arith.cmpi eq, %jit3A_41, %eq3A : i32
    %jit3A_43 = arith.constant 1 : i32
    %select_n3A_44 = arith.select %eq3A_42, %jit3A_43, %jit3A_41 : i32
    %rem3A_45 = arith.remsi %select_n3A_40, %select_n3A_44 : i32
    %ne3A_46 = arith.constant 0 : i32
    %ne3A_47 = arith.cmpi ne, %rem3A_45, %ne3A_46 : i32
    %lt3A = arith.constant 0 : i32
    %lt3A_48 = arith.cmpi slt, %rem3A_45, %lt3A : i32
    %lt3A_49 = arith.constant 0 : i32
    %lt3A_50 = arith.cmpi slt, %select_n3A_44, %lt3A_49 : i32
    %ne3A_51 = arith.xori %lt3A_48, %lt3A_50 : i1
    %and3A_52 = arith.andi %ne3A_51, %ne3A_47 : i1
    %add3A_53 = arith.addi %rem3A_45, %select_n3A_44 : i32
    %select_n3A_54 = arith.select %and3A_52, %add3A_53, %rem3A_45 : i32
    %jit3A_55 = arith.constant 4 : i32
    %eq3A_56 = arith.constant 0 : i32
    %eq3A_57 = arith.cmpi eq, %jit3A_55, %eq3A_56 : i32
    %jit3A_58 = arith.constant 1 : i32
    %select_n3A_59 = arith.select %eq3A_57, %jit3A_58, %jit3A_55 : i32
    %rem3A_60 = arith.remsi %add3A, %select_n3A_59 : i32
    %ne3A_61 = arith.constant 0 : i32
    %ne3A_62 = arith.cmpi ne, %rem3A_60, %ne3A_61 : i32
    %lt3A_63 = arith.constant 0 : i32
    %lt3A_64 = arith.cmpi slt, %rem3A_60, %lt3A_63 : i32
    %lt3A_65 = arith.constant 0 : i32
    %lt3A_66 = arith.cmpi slt, %select_n3A_59, %lt3A_65 : i32
    %ne3A_67 = arith.xori %lt3A_64, %lt3A_66 : i1
    %and3A_68 = arith.andi %ne3A_67, %ne3A_62 : i1
    %add3A_69 = arith.addi %rem3A_60, %select_n3A_59 : i32
    %select_n3A_70 = arith.select %and3A_68, %add3A_69, %rem3A_60 : i32
    "tpu.region"() ({
      %run_scoped3A = tpu.sem_alloc : memref<!tpu.dma_semaphore, #tpu.memory_space<semaphore_mem>>
      %dma_start3A_629 = arith.constant 0 : i32
      %dma_start3A_630 = arith.constant 0 : i32
      %dma_start3A_631 = arith.constant 0 : i32
      %dma_start3A_632 = arith.constant 0 : i32
      %dma_start3A_633 = tpu.memref_slice %arg3[%select_n3A, %dma_start3A_629, %dma_start3A_630, %dma_start3A_631, %dma_start3A_632] : memref<2x4x4x28x128xi32, #tpu.memory_space<hbm>> -> memref<1x4x4x28x128xi32, #tpu.memory_space<hbm>>
      %dma_start3A_634 = tpu.memref_squeeze %dma_start3A_633 : memref<1x4x4x28x128xi32, #tpu.memory_space<hbm>> -> memref<4x4x28x128xi32, #tpu.memory_space<hbm>>
      %dma_start3A_635 = arith.constant 0 : i32
      %dma_start3A_636 = arith.constant 0 : i32
      %dma_start3A_637 = arith.constant 0 : i32
      %dma_start3A_638 = tpu.memref_slice %dma_start3A_634[%select_n3A_54, %dma_start3A_635, %dma_start3A_636, %dma_start3A_637] : memref<4x4x28x128xi32, #tpu.memory_space<hbm>> -> memref<1x4x28x128xi32, #tpu.memory_space<hbm>>
      %dma_start3A_639 = tpu.memref_squeeze %dma_start3A_638 : memref<1x4x28x128xi32, #tpu.memory_space<hbm>> -> memref<4x28x128xi32, #tpu.memory_space<hbm>>
      %dma_start3A_640 = arith.constant 0 : i32
      %dma_start3A_641 = arith.constant 0 : i32
      %dma_start3A_642 = tpu.memref_slice %dma_start3A_639[%select_n3A_70, %dma_start3A_640, %dma_start3A_641] : memref<4x28x128xi32, #tpu.memory_space<hbm>> -> memref<1x28x128xi32, #tpu.memory_space<hbm>>
      %dma_start3A_643 = tpu.memref_squeeze %dma_start3A_642 : memref<1x28x128xi32, #tpu.memory_space<hbm>> -> memref<28x128xi32, #tpu.memory_space<hbm>>
      %dma_start3A_644 = arith.constant 0 : i32
      %dma_start3A_645 = arith.constant 0 : i32
      %dma_start3A_646 = arith.constant 0 : i32
      %dma_start3A_647 = arith.constant 0 : i32
      %dma_start3A_648 = tpu.memref_slice %arg3[%select_n3A, %dma_start3A_644, %dma_start3A_645, %dma_start3A_646, %dma_start3A_647] : memref<2x4x4x28x128xi32, #tpu.memory_space<hbm>> -> memref<1x4x4x28x128xi32, #tpu.memory_space<hbm>>
      %dma_start3A_649 = tpu.memref_squeeze %dma_start3A_648 : memref<1x4x4x28x128xi32, #tpu.memory_space<hbm>> -> memref<4x4x28x128xi32, #tpu.memory_space<hbm>>
      %dma_start3A_650 = arith.constant 0 : i32
      %dma_start3A_651 = arith.constant 0 : i32
      %dma_start3A_652 = arith.constant 0 : i32
      %dma_start3A_653 = tpu.memref_slice %dma_start3A_649[%select_n3A_54, %dma_start3A_650, %dma_start3A_651, %dma_start3A_652] : memref<4x4x28x128xi32, #tpu.memory_space<hbm>> -> memref<1x4x28x128xi32, #tpu.memory_space<hbm>>
      %dma_start3A_654 = tpu.memref_squeeze %dma_start3A_653 : memref<1x4x28x128xi32, #tpu.memory_space<hbm>> -> memref<4x28x128xi32, #tpu.memory_space<hbm>>
      %dma_start3A_655 = arith.constant 0 : i32
      %dma_start3A_656 = arith.constant 0 : i32
      %dma_start3A_657 = tpu.memref_slice %dma_start3A_654[%select_n3A_70, %dma_start3A_655, %dma_start3A_656] : memref<4x28x128xi32, #tpu.memory_space<hbm>> -> memref<1x28x128xi32, #tpu.memory_space<hbm>>
      %dma_start3A_658 = tpu.memref_squeeze %dma_start3A_657 : memref<1x28x128xi32, #tpu.memory_space<hbm>> -> memref<28x128xi32, #tpu.memory_space<hbm>>
      tpu.enqueue_dma source(%dma_start3A_658 : memref<28x128xi32, #tpu.memory_space<hbm>>) target(%arg5 : memref<28x128xi32, #tpu.memory_space<vmem>>) target_semaphore(%run_scoped3A : memref<!tpu.dma_semaphore, #tpu.memory_space<semaphore_mem>>)
      %dma_wait3A_659 = arith.constant 0 : i32
      %dma_wait3A_660 = arith.constant 0 : i32
      %dma_wait3A_661 = arith.constant 0 : i32
      %dma_wait3A_662 = arith.constant 0 : i32
      %dma_wait3A_663 = tpu.memref_slice %arg3[%select_n3A, %dma_wait3A_659, %dma_wait3A_660, %dma_wait3A_661, %dma_wait3A_662] : memref<2x4x4x28x128xi32, #tpu.memory_space<hbm>> -> memref<1x4x4x28x128xi32, #tpu.memory_space<hbm>>
      %dma_wait3A_664 = tpu.memref_squeeze %dma_wait3A_663 : memref<1x4x4x28x128xi32, #tpu.memory_space<hbm>> -> memref<4x4x28x128xi32, #tpu.memory_space<hbm>>
      %dma_wait3A_665 = arith.constant 0 : i32
      %dma_wait3A_666 = arith.constant 0 : i32
      %dma_wait3A_667 = arith.constant 0 : i32
      %dma_wait3A_668 = tpu.memref_slice %dma_wait3A_664[%select_n3A_54, %dma_wait3A_665, %dma_wait3A_666, %dma_wait3A_667] : memref<4x4x28x128xi32, #tpu.memory_space<hbm>> -> memref<1x4x28x128xi32, #tpu.memory_space<hbm>>
      %dma_wait3A_669 = tpu.memref_squeeze %dma_wait3A_668 : memref<1x4x28x128xi32, #tpu.memory_space<hbm>> -> memref<4x28x128xi32, #tpu.memory_space<hbm>>
      %dma_wait3A_670 = arith.constant 0 : i32
      %dma_wait3A_671 = arith.constant 0 : i32
      %dma_wait3A_672 = tpu.memref_slice %dma_wait3A_669[%select_n3A_70, %dma_wait3A_670, %dma_wait3A_671] : memref<4x28x128xi32, #tpu.memory_space<hbm>> -> memref<1x28x128xi32, #tpu.memory_space<hbm>>
      %dma_wait3A_673 = tpu.memref_squeeze %dma_wait3A_672 : memref<1x28x128xi32, #tpu.memory_space<hbm>> -> memref<28x128xi32, #tpu.memory_space<hbm>>
      %dma_wait3A_674 = arith.constant 0 : i32
      %dma_wait3A_675 = arith.constant 0 : i32
      %dma_wait3A_676 = arith.constant 0 : i32
      %dma_wait3A_677 = arith.constant 0 : i32
      %dma_wait3A_678 = tpu.memref_slice %arg3[%select_n3A, %dma_wait3A_674, %dma_wait3A_675, %dma_wait3A_676, %dma_wait3A_677] : memref<2x4x4x28x128xi32, #tpu.memory_space<hbm>> -> memref<1x4x4x28x128xi32, #tpu.memory_space<hbm>>
      %dma_wait3A_679 = tpu.memref_squeeze %dma_wait3A_678 : memref<1x4x4x28x128xi32, #tpu.memory_space<hbm>> -> memref<4x4x28x128xi32, #tpu.memory_space<hbm>>
      %dma_wait3A_680 = arith.constant 0 : i32
      %dma_wait3A_681 = arith.constant 0 : i32
      %dma_wait3A_682 = arith.constant 0 : i32
      %dma_wait3A_683 = tpu.memref_slice %dma_wait3A_679[%select_n3A_54, %dma_wait3A_680, %dma_wait3A_681, %dma_wait3A_682] : memref<4x4x28x128xi32, #tpu.memory_space<hbm>> -> memref<1x4x28x128xi32, #tpu.memory_space<hbm>>
      %dma_wait3A_684 = tpu.memref_squeeze %dma_wait3A_683 : memref<1x4x28x128xi32, #tpu.memory_space<hbm>> -> memref<4x28x128xi32, #tpu.memory_space<hbm>>
      %dma_wait3A_685 = arith.constant 0 : i32
      %dma_wait3A_686 = arith.constant 0 : i32
      %dma_wait3A_687 = tpu.memref_slice %dma_wait3A_684[%select_n3A_70, %dma_wait3A_685, %dma_wait3A_686] : memref<4x28x128xi32, #tpu.memory_space<hbm>> -> memref<1x28x128xi32, #tpu.memory_space<hbm>>
      %dma_wait3A_688 = tpu.memref_squeeze %dma_wait3A_687 : memref<1x28x128xi32, #tpu.memory_space<hbm>> -> memref<28x128xi32, #tpu.memory_space<hbm>>
      tpu.wait_dma2 semaphore(%run_scoped3A : memref<!tpu.dma_semaphore, #tpu.memory_space<semaphore_mem>>) src(%dma_wait3A_688 : memref<28x128xi32, #tpu.memory_space<hbm>>) dst(%arg5 : memref<28x128xi32, #tpu.memory_space<vmem>>)
      tpu.yield
    }) : () -> ()
    %dma_start3A = arith.constant 0 : i32
    %dma_start3A_71 = arith.constant 0 : i32
    %dma_start3A_72 = arith.constant 0 : i32
    %dma_start3A_73 = tpu.memref_slice %arg6[%dma_start3A_71, %dma_start3A_72] : memref<28x128xf32, #tpu.memory_space<vmem>> -> memref<1x128xf32, #tpu.memory_space<vmem>>
    %dma_start3A_74 = tpu.memref_squeeze %dma_start3A_73 : memref<1x128xf32, #tpu.memory_space<vmem>> -> memref<128xf32, #tpu.memory_space<vmem>>
    %dma_start3A_75 = arith.constant 0 : i32
    %dma_start3A_76 = tpu.memref_slice %arg5[%dma_start3A, %dma_start3A_75] : memref<28x128xi32, #tpu.memory_space<vmem>> -> memref<1x128xi32, #tpu.memory_space<vmem>>
    %dma_start3A_77 = tpu.memref_squeeze %dma_start3A_76 : memref<1x128xi32, #tpu.memory_space<vmem>> -> memref<128xi32, #tpu.memory_space<vmem>>
    %dma_start3A_78 = arith.constant 0 : i32
    %dma_start3A_79 = tpu.memref_slice %arg2[%dma_start3A_78] : memref<1048576xf32, #tpu.memory_space<hbm>> -> memref<1048576xf32, #tpu.memory_space<hbm>>
    tpu.enqueue_indirect_dma source(%dma_start3A_79 : memref<1048576xf32, #tpu.memory_space<hbm>>) target(%dma_start3A_74 : memref<128xf32, #tpu.memory_space<vmem>>) offsets(%dma_start3A_77 : memref<128xi32, #tpu.memory_space<vmem>>) semaphore(%arg7 : memref<!tpu.dma_semaphore, #tpu.memory_space<semaphore_mem>>)
    %dma_start3A_80 = arith.constant 1 : i32
    %dma_start3A_81 = arith.constant 1 : i32
    %dma_start3A_82 = arith.constant 0 : i32
    %dma_start3A_83 = tpu.memref_slice %arg6[%dma_start3A_81, %dma_start3A_82] : memref<28x128xf32, #tpu.memory_space<vmem>> -> memref<1x128xf32, #tpu.memory_space<vmem>>
    %dma_start3A_84 = tpu.memref_squeeze %dma_start3A_83 : memref<1x128xf32, #tpu.memory_space<vmem>> -> memref<128xf32, #tpu.memory_space<vmem>>
    %dma_start3A_85 = arith.constant 0 : i32
    %dma_start3A_86 = tpu.memref_slice %arg5[%dma_start3A_80, %dma_start3A_85] : memref<28x128xi32, #tpu.memory_space<vmem>> -> memref<1x128xi32, #tpu.memory_space<vmem>>
    %dma_start3A_87 = tpu.memref_squeeze %dma_start3A_86 : memref<1x128xi32, #tpu.memory_space<vmem>> -> memref<128xi32, #tpu.memory_space<vmem>>
    %dma_start3A_88 = arith.constant 0 : i32
    %dma_start3A_89 = tpu.memref_slice %arg2[%dma_start3A_88] : memref<1048576xf32, #tpu.memory_space<hbm>> -> memref<1048576xf32, #tpu.memory_space<hbm>>
    tpu.enqueue_indirect_dma source(%dma_start3A_89 : memref<1048576xf32, #tpu.memory_space<hbm>>) target(%dma_start3A_84 : memref<128xf32, #tpu.memory_space<vmem>>) offsets(%dma_start3A_87 : memref<128xi32, #tpu.memory_space<vmem>>) semaphore(%arg7 : memref<!tpu.dma_semaphore, #tpu.memory_space<semaphore_mem>>)
    %dma_start3A_90 = arith.constant 2 : i32
    %dma_start3A_91 = arith.constant 2 : i32
    %dma_start3A_92 = arith.constant 0 : i32
    %dma_start3A_93 = tpu.memref_slice %arg6[%dma_start3A_91, %dma_start3A_92] : memref<28x128xf32, #tpu.memory_space<vmem>> -> memref<1x128xf32, #tpu.memory_space<vmem>>
    %dma_start3A_94 = tpu.memref_squeeze %dma_start3A_93 : memref<1x128xf32, #tpu.memory_space<vmem>> -> memref<128xf32, #tpu.memory_space<vmem>>
    %dma_start3A_95 = arith.constant 0 : i32
    %dma_start3A_96 = tpu.memref_slice %arg5[%dma_start3A_90, %dma_start3A_95] : memref<28x128xi32, #tpu.memory_space<vmem>> -> memref<1x128xi32, #tpu.memory_space<vmem>>
    %dma_start3A_97 = tpu.memref_squeeze %dma_start3A_96 : memref<1x128xi32, #tpu.memory_space<vmem>> -> memref<128xi32, #tpu.memory_space<vmem>>
    %dma_start3A_98 = arith.constant 0 : i32
    %dma_start3A_99 = tpu.memref_slice %arg2[%dma_start3A_98] : memref<1048576xf32, #tpu.memory_space<hbm>> -> memref<1048576xf32, #tpu.memory_space<hbm>>
    tpu.enqueue_indirect_dma source(%dma_start3A_99 : memref<1048576xf32, #tpu.memory_space<hbm>>) target(%dma_start3A_94 : memref<128xf32, #tpu.memory_space<vmem>>) offsets(%dma_start3A_97 : memref<128xi32, #tpu.memory_space<vmem>>) semaphore(%arg7 : memref<!tpu.dma_semaphore, #tpu.memory_space<semaphore_mem>>)
    %dma_start3A_100 = arith.constant 3 : i32
    %dma_start3A_101 = arith.constant 3 : i32
    %dma_start3A_102 = arith.constant 0 : i32
    %dma_start3A_103 = tpu.memref_slice %arg6[%dma_start3A_101, %dma_start3A_102] : memref<28x128xf32, #tpu.memory_space<vmem>> -> memref<1x128xf32, #tpu.memory_space<vmem>>
    %dma_start3A_104 = tpu.memref_squeeze %dma_start3A_103 : memref<1x128xf32, #tpu.memory_space<vmem>> -> memref<128xf32, #tpu.memory_space<vmem>>
    %dma_start3A_105 = arith.constant 0 : i32
    %dma_start3A_106 = tpu.memref_slice %arg5[%dma_start3A_100, %dma_start3A_105] : memref<28x128xi32, #tpu.memory_space<vmem>> -> memref<1x128xi32, #tpu.memory_space<vmem>>
    %dma_start3A_107 = tpu.memref_squeeze %dma_start3A_106 : memref<1x128xi32, #tpu.memory_space<vmem>> -> memref<128xi32, #tpu.memory_space<vmem>>
    %dma_start3A_108 = arith.constant 0 : i32
    %dma_start3A_109 = tpu.memref_slice %arg2[%dma_start3A_108] : memref<1048576xf32, #tpu.memory_space<hbm>> -> memref<1048576xf32, #tpu.memory_space<hbm>>
    tpu.enqueue_indirect_dma source(%dma_start3A_109 : memref<1048576xf32, #tpu.memory_space<hbm>>) target(%dma_start3A_104 : memref<128xf32, #tpu.memory_space<vmem>>) offsets(%dma_start3A_107 : memref<128xi32, #tpu.memory_space<vmem>>) semaphore(%arg7 : memref<!tpu.dma_semaphore, #tpu.memory_space<semaphore_mem>>)
    %dma_start3A_110 = arith.constant 4 : i32
    %dma_start3A_111 = arith.constant 4 : i32
    %dma_start3A_112 = arith.constant 0 : i32
    %dma_start3A_113 = tpu.memref_slice %arg6[%dma_start3A_111, %dma_start3A_112] : memref<28x128xf32, #tpu.memory_space<vmem>> -> memref<1x128xf32, #tpu.memory_space<vmem>>
    %dma_start3A_114 = tpu.memref_squeeze %dma_start3A_113 : memref<1x128xf32, #tpu.memory_space<vmem>> -> memref<128xf32, #tpu.memory_space<vmem>>
    %dma_start3A_115 = arith.constant 0 : i32
    %dma_start3A_116 = tpu.memref_slice %arg5[%dma_start3A_110, %dma_start3A_115] : memref<28x128xi32, #tpu.memory_space<vmem>> -> memref<1x128xi32, #tpu.memory_space<vmem>>
    %dma_start3A_117 = tpu.memref_squeeze %dma_start3A_116 : memref<1x128xi32, #tpu.memory_space<vmem>> -> memref<128xi32, #tpu.memory_space<vmem>>
    %dma_start3A_118 = arith.constant 0 : i32
    %dma_start3A_119 = tpu.memref_slice %arg2[%dma_start3A_118] : memref<1048576xf32, #tpu.memory_space<hbm>> -> memref<1048576xf32, #tpu.memory_space<hbm>>
    tpu.enqueue_indirect_dma source(%dma_start3A_119 : memref<1048576xf32, #tpu.memory_space<hbm>>) target(%dma_start3A_114 : memref<128xf32, #tpu.memory_space<vmem>>) offsets(%dma_start3A_117 : memref<128xi32, #tpu.memory_space<vmem>>) semaphore(%arg7 : memref<!tpu.dma_semaphore, #tpu.memory_space<semaphore_mem>>)
    %dma_start3A_120 = arith.constant 5 : i32
    %dma_start3A_121 = arith.constant 5 : i32
    %dma_start3A_122 = arith.constant 0 : i32
    %dma_start3A_123 = tpu.memref_slice %arg6[%dma_start3A_121, %dma_start3A_122] : memref<28x128xf32, #tpu.memory_space<vmem>> -> memref<1x128xf32, #tpu.memory_space<vmem>>
    %dma_start3A_124 = tpu.memref_squeeze %dma_start3A_123 : memref<1x128xf32, #tpu.memory_space<vmem>> -> memref<128xf32, #tpu.memory_space<vmem>>
    %dma_start3A_125 = arith.constant 0 : i32
    %dma_start3A_126 = tpu.memref_slice %arg5[%dma_start3A_120, %dma_start3A_125] : memref<28x128xi32, #tpu.memory_space<vmem>> -> memref<1x128xi32, #tpu.memory_space<vmem>>
    %dma_start3A_127 = tpu.memref_squeeze %dma_start3A_126 : memref<1x128xi32, #tpu.memory_space<vmem>> -> memref<128xi32, #tpu.memory_space<vmem>>
    %dma_start3A_128 = arith.constant 0 : i32
    %dma_start3A_129 = tpu.memref_slice %arg2[%dma_start3A_128] : memref<1048576xf32, #tpu.memory_space<hbm>> -> memref<1048576xf32, #tpu.memory_space<hbm>>
    tpu.enqueue_indirect_dma source(%dma_start3A_129 : memref<1048576xf32, #tpu.memory_space<hbm>>) target(%dma_start3A_124 : memref<128xf32, #tpu.memory_space<vmem>>) offsets(%dma_start3A_127 : memref<128xi32, #tpu.memory_space<vmem>>) semaphore(%arg7 : memref<!tpu.dma_semaphore, #tpu.memory_space<semaphore_mem>>)
    %dma_start3A_130 = arith.constant 6 : i32
    %dma_start3A_131 = arith.constant 6 : i32
    %dma_start3A_132 = arith.constant 0 : i32
    %dma_start3A_133 = tpu.memref_slice %arg6[%dma_start3A_131, %dma_start3A_132] : memref<28x128xf32, #tpu.memory_space<vmem>> -> memref<1x128xf32, #tpu.memory_space<vmem>>
    %dma_start3A_134 = tpu.memref_squeeze %dma_start3A_133 : memref<1x128xf32, #tpu.memory_space<vmem>> -> memref<128xf32, #tpu.memory_space<vmem>>
    %dma_start3A_135 = arith.constant 0 : i32
    %dma_start3A_136 = tpu.memref_slice %arg5[%dma_start3A_130, %dma_start3A_135] : memref<28x128xi32, #tpu.memory_space<vmem>> -> memref<1x128xi32, #tpu.memory_space<vmem>>
    %dma_start3A_137 = tpu.memref_squeeze %dma_start3A_136 : memref<1x128xi32, #tpu.memory_space<vmem>> -> memref<128xi32, #tpu.memory_space<vmem>>
    %dma_start3A_138 = arith.constant 0 : i32
    %dma_start3A_139 = tpu.memref_slice %arg2[%dma_start3A_138] : memref<1048576xf32, #tpu.memory_space<hbm>> -> memref<1048576xf32, #tpu.memory_space<hbm>>
    tpu.enqueue_indirect_dma source(%dma_start3A_139 : memref<1048576xf32, #tpu.memory_space<hbm>>) target(%dma_start3A_134 : memref<128xf32, #tpu.memory_space<vmem>>) offsets(%dma_start3A_137 : memref<128xi32, #tpu.memory_space<vmem>>) semaphore(%arg7 : memref<!tpu.dma_semaphore, #tpu.memory_space<semaphore_mem>>)
    %dma_start3A_140 = arith.constant 7 : i32
    %dma_start3A_141 = arith.constant 7 : i32
    %dma_start3A_142 = arith.constant 0 : i32
    %dma_start3A_143 = tpu.memref_slice %arg6[%dma_start3A_141, %dma_start3A_142] : memref<28x128xf32, #tpu.memory_space<vmem>> -> memref<1x128xf32, #tpu.memory_space<vmem>>
    %dma_start3A_144 = tpu.memref_squeeze %dma_start3A_143 : memref<1x128xf32, #tpu.memory_space<vmem>> -> memref<128xf32, #tpu.memory_space<vmem>>
    %dma_start3A_145 = arith.constant 0 : i32
    %dma_start3A_146 = tpu.memref_slice %arg5[%dma_start3A_140, %dma_start3A_145] : memref<28x128xi32, #tpu.memory_space<vmem>> -> memref<1x128xi32, #tpu.memory_space<vmem>>
    %dma_start3A_147 = tpu.memref_squeeze %dma_start3A_146 : memref<1x128xi32, #tpu.memory_space<vmem>> -> memref<128xi32, #tpu.memory_space<vmem>>
    %dma_start3A_148 = arith.constant 0 : i32
    %dma_start3A_149 = tpu.memref_slice %arg2[%dma_start3A_148] : memref<1048576xf32, #tpu.memory_space<hbm>> -> memref<1048576xf32, #tpu.memory_space<hbm>>
    tpu.enqueue_indirect_dma source(%dma_start3A_149 : memref<1048576xf32, #tpu.memory_space<hbm>>) target(%dma_start3A_144 : memref<128xf32, #tpu.memory_space<vmem>>) offsets(%dma_start3A_147 : memref<128xi32, #tpu.memory_space<vmem>>) semaphore(%arg7 : memref<!tpu.dma_semaphore, #tpu.memory_space<semaphore_mem>>)
    %dma_start3A_150 = arith.constant 8 : i32
    %dma_start3A_151 = arith.constant 8 : i32
    %dma_start3A_152 = arith.constant 0 : i32
    %dma_start3A_153 = tpu.memref_slice %arg6[%dma_start3A_151, %dma_start3A_152] : memref<28x128xf32, #tpu.memory_space<vmem>> -> memref<1x128xf32, #tpu.memory_space<vmem>>
    %dma_start3A_154 = tpu.memref_squeeze %dma_start3A_153 : memref<1x128xf32, #tpu.memory_space<vmem>> -> memref<128xf32, #tpu.memory_space<vmem>>
    %dma_start3A_155 = arith.constant 0 : i32
    %dma_start3A_156 = tpu.memref_slice %arg5[%dma_start3A_150, %dma_start3A_155] : memref<28x128xi32, #tpu.memory_space<vmem>> -> memref<1x128xi32, #tpu.memory_space<vmem>>
    %dma_start3A_157 = tpu.memref_squeeze %dma_start3A_156 : memref<1x128xi32, #tpu.memory_space<vmem>> -> memref<128xi32, #tpu.memory_space<vmem>>
    %dma_start3A_158 = arith.constant 0 : i32
    %dma_start3A_159 = tpu.memref_slice %arg2[%dma_start3A_158] : memref<1048576xf32, #tpu.memory_space<hbm>> -> memref<1048576xf32, #tpu.memory_space<hbm>>
    tpu.enqueue_indirect_dma source(%dma_start3A_159 : memref<1048576xf32, #tpu.memory_space<hbm>>) target(%dma_start3A_154 : memref<128xf32, #tpu.memory_space<vmem>>) offsets(%dma_start3A_157 : memref<128xi32, #tpu.memory_space<vmem>>) semaphore(%arg7 : memref<!tpu.dma_semaphore, #tpu.memory_space<semaphore_mem>>)
    %dma_start3A_160 = arith.constant 9 : i32
    %dma_start3A_161 = arith.constant 9 : i32
    %dma_start3A_162 = arith.constant 0 : i32
    %dma_start3A_163 = tpu.memref_slice %arg6[%dma_start3A_161, %dma_start3A_162] : memref<28x128xf32, #tpu.memory_space<vmem>> -> memref<1x128xf32, #tpu.memory_space<vmem>>
    %dma_start3A_164 = tpu.memref_squeeze %dma_start3A_163 : memref<1x128xf32, #tpu.memory_space<vmem>> -> memref<128xf32, #tpu.memory_space<vmem>>
    %dma_start3A_165 = arith.constant 0 : i32
    %dma_start3A_166 = tpu.memref_slice %arg5[%dma_start3A_160, %dma_start3A_165] : memref<28x128xi32, #tpu.memory_space<vmem>> -> memref<1x128xi32, #tpu.memory_space<vmem>>
    %dma_start3A_167 = tpu.memref_squeeze %dma_start3A_166 : memref<1x128xi32, #tpu.memory_space<vmem>> -> memref<128xi32, #tpu.memory_space<vmem>>
    %dma_start3A_168 = arith.constant 0 : i32
    %dma_start3A_169 = tpu.memref_slice %arg2[%dma_start3A_168] : memref<1048576xf32, #tpu.memory_space<hbm>> -> memref<1048576xf32, #tpu.memory_space<hbm>>
    tpu.enqueue_indirect_dma source(%dma_start3A_169 : memref<1048576xf32, #tpu.memory_space<hbm>>) target(%dma_start3A_164 : memref<128xf32, #tpu.memory_space<vmem>>) offsets(%dma_start3A_167 : memref<128xi32, #tpu.memory_space<vmem>>) semaphore(%arg7 : memref<!tpu.dma_semaphore, #tpu.memory_space<semaphore_mem>>)
    %dma_start3A_170 = arith.constant 10 : i32
    %dma_start3A_171 = arith.constant 10 : i32
    %dma_start3A_172 = arith.constant 0 : i32
    %dma_start3A_173 = tpu.memref_slice %arg6[%dma_start3A_171, %dma_start3A_172] : memref<28x128xf32, #tpu.memory_space<vmem>> -> memref<1x128xf32, #tpu.memory_space<vmem>>
    %dma_start3A_174 = tpu.memref_squeeze %dma_start3A_173 : memref<1x128xf32, #tpu.memory_space<vmem>> -> memref<128xf32, #tpu.memory_space<vmem>>
    %dma_start3A_175 = arith.constant 0 : i32
    %dma_start3A_176 = tpu.memref_slice %arg5[%dma_start3A_170, %dma_start3A_175] : memref<28x128xi32, #tpu.memory_space<vmem>> -> memref<1x128xi32, #tpu.memory_space<vmem>>
    %dma_start3A_177 = tpu.memref_squeeze %dma_start3A_176 : memref<1x128xi32, #tpu.memory_space<vmem>> -> memref<128xi32, #tpu.memory_space<vmem>>
    %dma_start3A_178 = arith.constant 0 : i32
    %dma_start3A_179 = tpu.memref_slice %arg2[%dma_start3A_178] : memref<1048576xf32, #tpu.memory_space<hbm>> -> memref<1048576xf32, #tpu.memory_space<hbm>>
    tpu.enqueue_indirect_dma source(%dma_start3A_179 : memref<1048576xf32, #tpu.memory_space<hbm>>) target(%dma_start3A_174 : memref<128xf32, #tpu.memory_space<vmem>>) offsets(%dma_start3A_177 : memref<128xi32, #tpu.memory_space<vmem>>) semaphore(%arg7 : memref<!tpu.dma_semaphore, #tpu.memory_space<semaphore_mem>>)
    %dma_start3A_180 = arith.constant 11 : i32
    %dma_start3A_181 = arith.constant 11 : i32
    %dma_start3A_182 = arith.constant 0 : i32
    %dma_start3A_183 = tpu.memref_slice %arg6[%dma_start3A_181, %dma_start3A_182] : memref<28x128xf32, #tpu.memory_space<vmem>> -> memref<1x128xf32, #tpu.memory_space<vmem>>
    %dma_start3A_184 = tpu.memref_squeeze %dma_start3A_183 : memref<1x128xf32, #tpu.memory_space<vmem>> -> memref<128xf32, #tpu.memory_space<vmem>>
    %dma_start3A_185 = arith.constant 0 : i32
    %dma_start3A_186 = tpu.memref_slice %arg5[%dma_start3A_180, %dma_start3A_185] : memref<28x128xi32, #tpu.memory_space<vmem>> -> memref<1x128xi32, #tpu.memory_space<vmem>>
    %dma_start3A_187 = tpu.memref_squeeze %dma_start3A_186 : memref<1x128xi32, #tpu.memory_space<vmem>> -> memref<128xi32, #tpu.memory_space<vmem>>
    %dma_start3A_188 = arith.constant 0 : i32
    %dma_start3A_189 = tpu.memref_slice %arg2[%dma_start3A_188] : memref<1048576xf32, #tpu.memory_space<hbm>> -> memref<1048576xf32, #tpu.memory_space<hbm>>
    tpu.enqueue_indirect_dma source(%dma_start3A_189 : memref<1048576xf32, #tpu.memory_space<hbm>>) target(%dma_start3A_184 : memref<128xf32, #tpu.memory_space<vmem>>) offsets(%dma_start3A_187 : memref<128xi32, #tpu.memory_space<vmem>>) semaphore(%arg7 : memref<!tpu.dma_semaphore, #tpu.memory_space<semaphore_mem>>)
    %dma_start3A_190 = arith.constant 12 : i32
    %dma_start3A_191 = arith.constant 12 : i32
    %dma_start3A_192 = arith.constant 0 : i32
    %dma_start3A_193 = tpu.memref_slice %arg6[%dma_start3A_191, %dma_start3A_192] : memref<28x128xf32, #tpu.memory_space<vmem>> -> memref<1x128xf32, #tpu.memory_space<vmem>>
    %dma_start3A_194 = tpu.memref_squeeze %dma_start3A_193 : memref<1x128xf32, #tpu.memory_space<vmem>> -> memref<128xf32, #tpu.memory_space<vmem>>
    %dma_start3A_195 = arith.constant 0 : i32
    %dma_start3A_196 = tpu.memref_slice %arg5[%dma_start3A_190, %dma_start3A_195] : memref<28x128xi32, #tpu.memory_space<vmem>> -> memref<1x128xi32, #tpu.memory_space<vmem>>
    %dma_start3A_197 = tpu.memref_squeeze %dma_start3A_196 : memref<1x128xi32, #tpu.memory_space<vmem>> -> memref<128xi32, #tpu.memory_space<vmem>>
    %dma_start3A_198 = arith.constant 0 : i32
    %dma_start3A_199 = tpu.memref_slice %arg2[%dma_start3A_198] : memref<1048576xf32, #tpu.memory_space<hbm>> -> memref<1048576xf32, #tpu.memory_space<hbm>>
    tpu.enqueue_indirect_dma source(%dma_start3A_199 : memref<1048576xf32, #tpu.memory_space<hbm>>) target(%dma_start3A_194 : memref<128xf32, #tpu.memory_space<vmem>>) offsets(%dma_start3A_197 : memref<128xi32, #tpu.memory_space<vmem>>) semaphore(%arg7 : memref<!tpu.dma_semaphore, #tpu.memory_space<semaphore_mem>>)
    %dma_start3A_200 = arith.constant 13 : i32
    %dma_start3A_201 = arith.constant 13 : i32
    %dma_start3A_202 = arith.constant 0 : i32
    %dma_start3A_203 = tpu.memref_slice %arg6[%dma_start3A_201, %dma_start3A_202] : memref<28x128xf32, #tpu.memory_space<vmem>> -> memref<1x128xf32, #tpu.memory_space<vmem>>
    %dma_start3A_204 = tpu.memref_squeeze %dma_start3A_203 : memref<1x128xf32, #tpu.memory_space<vmem>> -> memref<128xf32, #tpu.memory_space<vmem>>
    %dma_start3A_205 = arith.constant 0 : i32
    %dma_start3A_206 = tpu.memref_slice %arg5[%dma_start3A_200, %dma_start3A_205] : memref<28x128xi32, #tpu.memory_space<vmem>> -> memref<1x128xi32, #tpu.memory_space<vmem>>
    %dma_start3A_207 = tpu.memref_squeeze %dma_start3A_206 : memref<1x128xi32, #tpu.memory_space<vmem>> -> memref<128xi32, #tpu.memory_space<vmem>>
    %dma_start3A_208 = arith.constant 0 : i32
    %dma_start3A_209 = tpu.memref_slice %arg2[%dma_start3A_208] : memref<1048576xf32, #tpu.memory_space<hbm>> -> memref<1048576xf32, #tpu.memory_space<hbm>>
    tpu.enqueue_indirect_dma source(%dma_start3A_209 : memref<1048576xf32, #tpu.memory_space<hbm>>) target(%dma_start3A_204 : memref<128xf32, #tpu.memory_space<vmem>>) offsets(%dma_start3A_207 : memref<128xi32, #tpu.memory_space<vmem>>) semaphore(%arg7 : memref<!tpu.dma_semaphore, #tpu.memory_space<semaphore_mem>>)
    %dma_start3A_210 = arith.constant 14 : i32
    %dma_start3A_211 = arith.constant 14 : i32
    %dma_start3A_212 = arith.constant 0 : i32
    %dma_start3A_213 = tpu.memref_slice %arg6[%dma_start3A_211, %dma_start3A_212] : memref<28x128xf32, #tpu.memory_space<vmem>> -> memref<1x128xf32, #tpu.memory_space<vmem>>
    %dma_start3A_214 = tpu.memref_squeeze %dma_start3A_213 : memref<1x128xf32, #tpu.memory_space<vmem>> -> memref<128xf32, #tpu.memory_space<vmem>>
    %dma_start3A_215 = arith.constant 0 : i32
    %dma_start3A_216 = tpu.memref_slice %arg5[%dma_start3A_210, %dma_start3A_215] : memref<28x128xi32, #tpu.memory_space<vmem>> -> memref<1x128xi32, #tpu.memory_space<vmem>>
    %dma_start3A_217 = tpu.memref_squeeze %dma_start3A_216 : memref<1x128xi32, #tpu.memory_space<vmem>> -> memref<128xi32, #tpu.memory_space<vmem>>
    %dma_start3A_218 = arith.constant 0 : i32
    %dma_start3A_219 = tpu.memref_slice %arg2[%dma_start3A_218] : memref<1048576xf32, #tpu.memory_space<hbm>> -> memref<1048576xf32, #tpu.memory_space<hbm>>
    tpu.enqueue_indirect_dma source(%dma_start3A_219 : memref<1048576xf32, #tpu.memory_space<hbm>>) target(%dma_start3A_214 : memref<128xf32, #tpu.memory_space<vmem>>) offsets(%dma_start3A_217 : memref<128xi32, #tpu.memory_space<vmem>>) semaphore(%arg7 : memref<!tpu.dma_semaphore, #tpu.memory_space<semaphore_mem>>)
    %dma_start3A_220 = arith.constant 15 : i32
    %dma_start3A_221 = arith.constant 15 : i32
    %dma_start3A_222 = arith.constant 0 : i32
    %dma_start3A_223 = tpu.memref_slice %arg6[%dma_start3A_221, %dma_start3A_222] : memref<28x128xf32, #tpu.memory_space<vmem>> -> memref<1x128xf32, #tpu.memory_space<vmem>>
    %dma_start3A_224 = tpu.memref_squeeze %dma_start3A_223 : memref<1x128xf32, #tpu.memory_space<vmem>> -> memref<128xf32, #tpu.memory_space<vmem>>
    %dma_start3A_225 = arith.constant 0 : i32
    %dma_start3A_226 = tpu.memref_slice %arg5[%dma_start3A_220, %dma_start3A_225] : memref<28x128xi32, #tpu.memory_space<vmem>> -> memref<1x128xi32, #tpu.memory_space<vmem>>
    %dma_start3A_227 = tpu.memref_squeeze %dma_start3A_226 : memref<1x128xi32, #tpu.memory_space<vmem>> -> memref<128xi32, #tpu.memory_space<vmem>>
    %dma_start3A_228 = arith.constant 0 : i32
    %dma_start3A_229 = tpu.memref_slice %arg2[%dma_start3A_228] : memref<1048576xf32, #tpu.memory_space<hbm>> -> memref<1048576xf32, #tpu.memory_space<hbm>>
    tpu.enqueue_indirect_dma source(%dma_start3A_229 : memref<1048576xf32, #tpu.memory_space<hbm>>) target(%dma_start3A_224 : memref<128xf32, #tpu.memory_space<vmem>>) offsets(%dma_start3A_227 : memref<128xi32, #tpu.memory_space<vmem>>) semaphore(%arg7 : memref<!tpu.dma_semaphore, #tpu.memory_space<semaphore_mem>>)
    %dma_start3A_230 = arith.constant 16 : i32
    %dma_start3A_231 = arith.constant 16 : i32
    %dma_start3A_232 = arith.constant 0 : i32
    %dma_start3A_233 = tpu.memref_slice %arg6[%dma_start3A_231, %dma_start3A_232] : memref<28x128xf32, #tpu.memory_space<vmem>> -> memref<1x128xf32, #tpu.memory_space<vmem>>
    %dma_start3A_234 = tpu.memref_squeeze %dma_start3A_233 : memref<1x128xf32, #tpu.memory_space<vmem>> -> memref<128xf32, #tpu.memory_space<vmem>>
    %dma_start3A_235 = arith.constant 0 : i32
    %dma_start3A_236 = tpu.memref_slice %arg5[%dma_start3A_230, %dma_start3A_235] : memref<28x128xi32, #tpu.memory_space<vmem>> -> memref<1x128xi32, #tpu.memory_space<vmem>>
    %dma_start3A_237 = tpu.memref_squeeze %dma_start3A_236 : memref<1x128xi32, #tpu.memory_space<vmem>> -> memref<128xi32, #tpu.memory_space<vmem>>
    %dma_start3A_238 = arith.constant 0 : i32
    %dma_start3A_239 = tpu.memref_slice %arg2[%dma_start3A_238] : memref<1048576xf32, #tpu.memory_space<hbm>> -> memref<1048576xf32, #tpu.memory_space<hbm>>
    tpu.enqueue_indirect_dma source(%dma_start3A_239 : memref<1048576xf32, #tpu.memory_space<hbm>>) target(%dma_start3A_234 : memref<128xf32, #tpu.memory_space<vmem>>) offsets(%dma_start3A_237 : memref<128xi32, #tpu.memory_space<vmem>>) semaphore(%arg7 : memref<!tpu.dma_semaphore, #tpu.memory_space<semaphore_mem>>)
    %dma_start3A_240 = arith.constant 17 : i32
    %dma_start3A_241 = arith.constant 17 : i32
    %dma_start3A_242 = arith.constant 0 : i32
    %dma_start3A_243 = tpu.memref_slice %arg6[%dma_start3A_241, %dma_start3A_242] : memref<28x128xf32, #tpu.memory_space<vmem>> -> memref<1x128xf32, #tpu.memory_space<vmem>>
    %dma_start3A_244 = tpu.memref_squeeze %dma_start3A_243 : memref<1x128xf32, #tpu.memory_space<vmem>> -> memref<128xf32, #tpu.memory_space<vmem>>
    %dma_start3A_245 = arith.constant 0 : i32
    %dma_start3A_246 = tpu.memref_slice %arg5[%dma_start3A_240, %dma_start3A_245] : memref<28x128xi32, #tpu.memory_space<vmem>> -> memref<1x128xi32, #tpu.memory_space<vmem>>
    %dma_start3A_247 = tpu.memref_squeeze %dma_start3A_246 : memref<1x128xi32, #tpu.memory_space<vmem>> -> memref<128xi32, #tpu.memory_space<vmem>>
    %dma_start3A_248 = arith.constant 0 : i32
    %dma_start3A_249 = tpu.memref_slice %arg2[%dma_start3A_248] : memref<1048576xf32, #tpu.memory_space<hbm>> -> memref<1048576xf32, #tpu.memory_space<hbm>>
    tpu.enqueue_indirect_dma source(%dma_start3A_249 : memref<1048576xf32, #tpu.memory_space<hbm>>) target(%dma_start3A_244 : memref<128xf32, #tpu.memory_space<vmem>>) offsets(%dma_start3A_247 : memref<128xi32, #tpu.memory_space<vmem>>) semaphore(%arg7 : memref<!tpu.dma_semaphore, #tpu.memory_space<semaphore_mem>>)
    %dma_start3A_250 = arith.constant 18 : i32
    %dma_start3A_251 = arith.constant 18 : i32
    %dma_start3A_252 = arith.constant 0 : i32
    %dma_start3A_253 = tpu.memref_slice %arg6[%dma_start3A_251, %dma_start3A_252] : memref<28x128xf32, #tpu.memory_space<vmem>> -> memref<1x128xf32, #tpu.memory_space<vmem>>
    %dma_start3A_254 = tpu.memref_squeeze %dma_start3A_253 : memref<1x128xf32, #tpu.memory_space<vmem>> -> memref<128xf32, #tpu.memory_space<vmem>>
    %dma_start3A_255 = arith.constant 0 : i32
    %dma_start3A_256 = tpu.memref_slice %arg5[%dma_start3A_250, %dma_start3A_255] : memref<28x128xi32, #tpu.memory_space<vmem>> -> memref<1x128xi32, #tpu.memory_space<vmem>>
    %dma_start3A_257 = tpu.memref_squeeze %dma_start3A_256 : memref<1x128xi32, #tpu.memory_space<vmem>> -> memref<128xi32, #tpu.memory_space<vmem>>
    %dma_start3A_258 = arith.constant 0 : i32
    %dma_start3A_259 = tpu.memref_slice %arg2[%dma_start3A_258] : memref<1048576xf32, #tpu.memory_space<hbm>> -> memref<1048576xf32, #tpu.memory_space<hbm>>
    tpu.enqueue_indirect_dma source(%dma_start3A_259 : memref<1048576xf32, #tpu.memory_space<hbm>>) target(%dma_start3A_254 : memref<128xf32, #tpu.memory_space<vmem>>) offsets(%dma_start3A_257 : memref<128xi32, #tpu.memory_space<vmem>>) semaphore(%arg7 : memref<!tpu.dma_semaphore, #tpu.memory_space<semaphore_mem>>)
    %dma_start3A_260 = arith.constant 19 : i32
    %dma_start3A_261 = arith.constant 19 : i32
    %dma_start3A_262 = arith.constant 0 : i32
    %dma_start3A_263 = tpu.memref_slice %arg6[%dma_start3A_261, %dma_start3A_262] : memref<28x128xf32, #tpu.memory_space<vmem>> -> memref<1x128xf32, #tpu.memory_space<vmem>>
    %dma_start3A_264 = tpu.memref_squeeze %dma_start3A_263 : memref<1x128xf32, #tpu.memory_space<vmem>> -> memref<128xf32, #tpu.memory_space<vmem>>
    %dma_start3A_265 = arith.constant 0 : i32
    %dma_start3A_266 = tpu.memref_slice %arg5[%dma_start3A_260, %dma_start3A_265] : memref<28x128xi32, #tpu.memory_space<vmem>> -> memref<1x128xi32, #tpu.memory_space<vmem>>
    %dma_start3A_267 = tpu.memref_squeeze %dma_start3A_266 : memref<1x128xi32, #tpu.memory_space<vmem>> -> memref<128xi32, #tpu.memory_space<vmem>>
    %dma_start3A_268 = arith.constant 0 : i32
    %dma_start3A_269 = tpu.memref_slice %arg2[%dma_start3A_268] : memref<1048576xf32, #tpu.memory_space<hbm>> -> memref<1048576xf32, #tpu.memory_space<hbm>>
    tpu.enqueue_indirect_dma source(%dma_start3A_269 : memref<1048576xf32, #tpu.memory_space<hbm>>) target(%dma_start3A_264 : memref<128xf32, #tpu.memory_space<vmem>>) offsets(%dma_start3A_267 : memref<128xi32, #tpu.memory_space<vmem>>) semaphore(%arg7 : memref<!tpu.dma_semaphore, #tpu.memory_space<semaphore_mem>>)
    %dma_start3A_270 = arith.constant 20 : i32
    %dma_start3A_271 = arith.constant 20 : i32
    %dma_start3A_272 = arith.constant 0 : i32
    %dma_start3A_273 = tpu.memref_slice %arg6[%dma_start3A_271, %dma_start3A_272] : memref<28x128xf32, #tpu.memory_space<vmem>> -> memref<1x128xf32, #tpu.memory_space<vmem>>
    %dma_start3A_274 = tpu.memref_squeeze %dma_start3A_273 : memref<1x128xf32, #tpu.memory_space<vmem>> -> memref<128xf32, #tpu.memory_space<vmem>>
    %dma_start3A_275 = arith.constant 0 : i32
    %dma_start3A_276 = tpu.memref_slice %arg5[%dma_start3A_270, %dma_start3A_275] : memref<28x128xi32, #tpu.memory_space<vmem>> -> memref<1x128xi32, #tpu.memory_space<vmem>>
    %dma_start3A_277 = tpu.memref_squeeze %dma_start3A_276 : memref<1x128xi32, #tpu.memory_space<vmem>> -> memref<128xi32, #tpu.memory_space<vmem>>
    %dma_start3A_278 = arith.constant 0 : i32
    %dma_start3A_279 = tpu.memref_slice %arg2[%dma_start3A_278] : memref<1048576xf32, #tpu.memory_space<hbm>> -> memref<1048576xf32, #tpu.memory_space<hbm>>
    tpu.enqueue_indirect_dma source(%dma_start3A_279 : memref<1048576xf32, #tpu.memory_space<hbm>>) target(%dma_start3A_274 : memref<128xf32, #tpu.memory_space<vmem>>) offsets(%dma_start3A_277 : memref<128xi32, #tpu.memory_space<vmem>>) semaphore(%arg7 : memref<!tpu.dma_semaphore, #tpu.memory_space<semaphore_mem>>)
    %dma_start3A_280 = arith.constant 21 : i32
    %dma_start3A_281 = arith.constant 21 : i32
    %dma_start3A_282 = arith.constant 0 : i32
    %dma_start3A_283 = tpu.memref_slice %arg6[%dma_start3A_281, %dma_start3A_282] : memref<28x128xf32, #tpu.memory_space<vmem>> -> memref<1x128xf32, #tpu.memory_space<vmem>>
    %dma_start3A_284 = tpu.memref_squeeze %dma_start3A_283 : memref<1x128xf32, #tpu.memory_space<vmem>> -> memref<128xf32, #tpu.memory_space<vmem>>
    %dma_start3A_285 = arith.constant 0 : i32
    %dma_start3A_286 = tpu.memref_slice %arg5[%dma_start3A_280, %dma_start3A_285] : memref<28x128xi32, #tpu.memory_space<vmem>> -> memref<1x128xi32, #tpu.memory_space<vmem>>
    %dma_start3A_287 = tpu.memref_squeeze %dma_start3A_286 : memref<1x128xi32, #tpu.memory_space<vmem>> -> memref<128xi32, #tpu.memory_space<vmem>>
    %dma_start3A_288 = arith.constant 0 : i32
    %dma_start3A_289 = tpu.memref_slice %arg2[%dma_start3A_288] : memref<1048576xf32, #tpu.memory_space<hbm>> -> memref<1048576xf32, #tpu.memory_space<hbm>>
    tpu.enqueue_indirect_dma source(%dma_start3A_289 : memref<1048576xf32, #tpu.memory_space<hbm>>) target(%dma_start3A_284 : memref<128xf32, #tpu.memory_space<vmem>>) offsets(%dma_start3A_287 : memref<128xi32, #tpu.memory_space<vmem>>) semaphore(%arg7 : memref<!tpu.dma_semaphore, #tpu.memory_space<semaphore_mem>>)
    %dma_start3A_290 = arith.constant 22 : i32
    %dma_start3A_291 = arith.constant 22 : i32
    %dma_start3A_292 = arith.constant 0 : i32
    %dma_start3A_293 = tpu.memref_slice %arg6[%dma_start3A_291, %dma_start3A_292] : memref<28x128xf32, #tpu.memory_space<vmem>> -> memref<1x128xf32, #tpu.memory_space<vmem>>
    %dma_start3A_294 = tpu.memref_squeeze %dma_start3A_293 : memref<1x128xf32, #tpu.memory_space<vmem>> -> memref<128xf32, #tpu.memory_space<vmem>>
    %dma_start3A_295 = arith.constant 0 : i32
    %dma_start3A_296 = tpu.memref_slice %arg5[%dma_start3A_290, %dma_start3A_295] : memref<28x128xi32, #tpu.memory_space<vmem>> -> memref<1x128xi32, #tpu.memory_space<vmem>>
    %dma_start3A_297 = tpu.memref_squeeze %dma_start3A_296 : memref<1x128xi32, #tpu.memory_space<vmem>> -> memref<128xi32, #tpu.memory_space<vmem>>
    %dma_start3A_298 = arith.constant 0 : i32
    %dma_start3A_299 = tpu.memref_slice %arg2[%dma_start3A_298] : memref<1048576xf32, #tpu.memory_space<hbm>> -> memref<1048576xf32, #tpu.memory_space<hbm>>
    tpu.enqueue_indirect_dma source(%dma_start3A_299 : memref<1048576xf32, #tpu.memory_space<hbm>>) target(%dma_start3A_294 : memref<128xf32, #tpu.memory_space<vmem>>) offsets(%dma_start3A_297 : memref<128xi32, #tpu.memory_space<vmem>>) semaphore(%arg7 : memref<!tpu.dma_semaphore, #tpu.memory_space<semaphore_mem>>)
    %dma_start3A_300 = arith.constant 23 : i32
    %dma_start3A_301 = arith.constant 23 : i32
    %dma_start3A_302 = arith.constant 0 : i32
    %dma_start3A_303 = tpu.memref_slice %arg6[%dma_start3A_301, %dma_start3A_302] : memref<28x128xf32, #tpu.memory_space<vmem>> -> memref<1x128xf32, #tpu.memory_space<vmem>>
    %dma_start3A_304 = tpu.memref_squeeze %dma_start3A_303 : memref<1x128xf32, #tpu.memory_space<vmem>> -> memref<128xf32, #tpu.memory_space<vmem>>
    %dma_start3A_305 = arith.constant 0 : i32
    %dma_start3A_306 = tpu.memref_slice %arg5[%dma_start3A_300, %dma_start3A_305] : memref<28x128xi32, #tpu.memory_space<vmem>> -> memref<1x128xi32, #tpu.memory_space<vmem>>
    %dma_start3A_307 = tpu.memref_squeeze %dma_start3A_306 : memref<1x128xi32, #tpu.memory_space<vmem>> -> memref<128xi32, #tpu.memory_space<vmem>>
    %dma_start3A_308 = arith.constant 0 : i32
    %dma_start3A_309 = tpu.memref_slice %arg2[%dma_start3A_308] : memref<1048576xf32, #tpu.memory_space<hbm>> -> memref<1048576xf32, #tpu.memory_space<hbm>>
    tpu.enqueue_indirect_dma source(%dma_start3A_309 : memref<1048576xf32, #tpu.memory_space<hbm>>) target(%dma_start3A_304 : memref<128xf32, #tpu.memory_space<vmem>>) offsets(%dma_start3A_307 : memref<128xi32, #tpu.memory_space<vmem>>) semaphore(%arg7 : memref<!tpu.dma_semaphore, #tpu.memory_space<semaphore_mem>>)
    %dma_start3A_310 = arith.constant 24 : i32
    %dma_start3A_311 = arith.constant 24 : i32
    %dma_start3A_312 = arith.constant 0 : i32
    %dma_start3A_313 = tpu.memref_slice %arg6[%dma_start3A_311, %dma_start3A_312] : memref<28x128xf32, #tpu.memory_space<vmem>> -> memref<1x128xf32, #tpu.memory_space<vmem>>
    %dma_start3A_314 = tpu.memref_squeeze %dma_start3A_313 : memref<1x128xf32, #tpu.memory_space<vmem>> -> memref<128xf32, #tpu.memory_space<vmem>>
    %dma_start3A_315 = arith.constant 0 : i32
    %dma_start3A_316 = tpu.memref_slice %arg5[%dma_start3A_310, %dma_start3A_315] : memref<28x128xi32, #tpu.memory_space<vmem>> -> memref<1x128xi32, #tpu.memory_space<vmem>>
    %dma_start3A_317 = tpu.memref_squeeze %dma_start3A_316 : memref<1x128xi32, #tpu.memory_space<vmem>> -> memref<128xi32, #tpu.memory_space<vmem>>
    %dma_start3A_318 = arith.constant 0 : i32
    %dma_start3A_319 = tpu.memref_slice %arg2[%dma_start3A_318] : memref<1048576xf32, #tpu.memory_space<hbm>> -> memref<1048576xf32, #tpu.memory_space<hbm>>
    tpu.enqueue_indirect_dma source(%dma_start3A_319 : memref<1048576xf32, #tpu.memory_space<hbm>>) target(%dma_start3A_314 : memref<128xf32, #tpu.memory_space<vmem>>) offsets(%dma_start3A_317 : memref<128xi32, #tpu.memory_space<vmem>>) semaphore(%arg7 : memref<!tpu.dma_semaphore, #tpu.memory_space<semaphore_mem>>)
    %dma_start3A_320 = arith.constant 25 : i32
    %dma_start3A_321 = arith.constant 25 : i32
    %dma_start3A_322 = arith.constant 0 : i32
    %dma_start3A_323 = tpu.memref_slice %arg6[%dma_start3A_321, %dma_start3A_322] : memref<28x128xf32, #tpu.memory_space<vmem>> -> memref<1x128xf32, #tpu.memory_space<vmem>>
    %dma_start3A_324 = tpu.memref_squeeze %dma_start3A_323 : memref<1x128xf32, #tpu.memory_space<vmem>> -> memref<128xf32, #tpu.memory_space<vmem>>
    %dma_start3A_325 = arith.constant 0 : i32
    %dma_start3A_326 = tpu.memref_slice %arg5[%dma_start3A_320, %dma_start3A_325] : memref<28x128xi32, #tpu.memory_space<vmem>> -> memref<1x128xi32, #tpu.memory_space<vmem>>
    %dma_start3A_327 = tpu.memref_squeeze %dma_start3A_326 : memref<1x128xi32, #tpu.memory_space<vmem>> -> memref<128xi32, #tpu.memory_space<vmem>>
    %dma_start3A_328 = arith.constant 0 : i32
    %dma_start3A_329 = tpu.memref_slice %arg2[%dma_start3A_328] : memref<1048576xf32, #tpu.memory_space<hbm>> -> memref<1048576xf32, #tpu.memory_space<hbm>>
    tpu.enqueue_indirect_dma source(%dma_start3A_329 : memref<1048576xf32, #tpu.memory_space<hbm>>) target(%dma_start3A_324 : memref<128xf32, #tpu.memory_space<vmem>>) offsets(%dma_start3A_327 : memref<128xi32, #tpu.memory_space<vmem>>) semaphore(%arg7 : memref<!tpu.dma_semaphore, #tpu.memory_space<semaphore_mem>>)
    %dma_start3A_330 = arith.constant 26 : i32
    %dma_start3A_331 = arith.constant 26 : i32
    %dma_start3A_332 = arith.constant 0 : i32
    %dma_start3A_333 = tpu.memref_slice %arg6[%dma_start3A_331, %dma_start3A_332] : memref<28x128xf32, #tpu.memory_space<vmem>> -> memref<1x128xf32, #tpu.memory_space<vmem>>
    %dma_start3A_334 = tpu.memref_squeeze %dma_start3A_333 : memref<1x128xf32, #tpu.memory_space<vmem>> -> memref<128xf32, #tpu.memory_space<vmem>>
    %dma_start3A_335 = arith.constant 0 : i32
    %dma_start3A_336 = tpu.memref_slice %arg5[%dma_start3A_330, %dma_start3A_335] : memref<28x128xi32, #tpu.memory_space<vmem>> -> memref<1x128xi32, #tpu.memory_space<vmem>>
    %dma_start3A_337 = tpu.memref_squeeze %dma_start3A_336 : memref<1x128xi32, #tpu.memory_space<vmem>> -> memref<128xi32, #tpu.memory_space<vmem>>
    %dma_start3A_338 = arith.constant 0 : i32
    %dma_start3A_339 = tpu.memref_slice %arg2[%dma_start3A_338] : memref<1048576xf32, #tpu.memory_space<hbm>> -> memref<1048576xf32, #tpu.memory_space<hbm>>
    tpu.enqueue_indirect_dma source(%dma_start3A_339 : memref<1048576xf32, #tpu.memory_space<hbm>>) target(%dma_start3A_334 : memref<128xf32, #tpu.memory_space<vmem>>) offsets(%dma_start3A_337 : memref<128xi32, #tpu.memory_space<vmem>>) semaphore(%arg7 : memref<!tpu.dma_semaphore, #tpu.memory_space<semaphore_mem>>)
    %dma_start3A_340 = arith.constant 27 : i32
    %dma_start3A_341 = arith.constant 27 : i32
    %dma_start3A_342 = arith.constant 0 : i32
    %dma_start3A_343 = tpu.memref_slice %arg6[%dma_start3A_341, %dma_start3A_342] : memref<28x128xf32, #tpu.memory_space<vmem>> -> memref<1x128xf32, #tpu.memory_space<vmem>>
    %dma_start3A_344 = tpu.memref_squeeze %dma_start3A_343 : memref<1x128xf32, #tpu.memory_space<vmem>> -> memref<128xf32, #tpu.memory_space<vmem>>
    %dma_start3A_345 = arith.constant 0 : i32
    %dma_start3A_346 = tpu.memref_slice %arg5[%dma_start3A_340, %dma_start3A_345] : memref<28x128xi32, #tpu.memory_space<vmem>> -> memref<1x128xi32, #tpu.memory_space<vmem>>
    %dma_start3A_347 = tpu.memref_squeeze %dma_start3A_346 : memref<1x128xi32, #tpu.memory_space<vmem>> -> memref<128xi32, #tpu.memory_space<vmem>>
    %dma_start3A_348 = arith.constant 0 : i32
    %dma_start3A_349 = tpu.memref_slice %arg2[%dma_start3A_348] : memref<1048576xf32, #tpu.memory_space<hbm>> -> memref<1048576xf32, #tpu.memory_space<hbm>>
    tpu.enqueue_indirect_dma source(%dma_start3A_349 : memref<1048576xf32, #tpu.memory_space<hbm>>) target(%dma_start3A_344 : memref<128xf32, #tpu.memory_space<vmem>>) offsets(%dma_start3A_347 : memref<128xi32, #tpu.memory_space<vmem>>) semaphore(%arg7 : memref<!tpu.dma_semaphore, #tpu.memory_space<semaphore_mem>>)
    %dma_wait3A = arith.constant 0 : i32
    %dma_wait3A_350 = arith.constant 0 : i32
    %dma_wait3A_351 = arith.constant 0 : i32
    %dma_wait3A_352 = tpu.memref_slice %arg6[%dma_wait3A_350, %dma_wait3A_351] : memref<28x128xf32, #tpu.memory_space<vmem>> -> memref<1x128xf32, #tpu.memory_space<vmem>>
    %dma_wait3A_353 = tpu.memref_squeeze %dma_wait3A_352 : memref<1x128xf32, #tpu.memory_space<vmem>> -> memref<128xf32, #tpu.memory_space<vmem>>
    %dma_wait3A_354 = arith.constant 0 : i32
    %dma_wait3A_355 = tpu.memref_slice %arg5[%dma_wait3A, %dma_wait3A_354] : memref<28x128xi32, #tpu.memory_space<vmem>> -> memref<1x128xi32, #tpu.memory_space<vmem>>
    %dma_wait3A_356 = tpu.memref_squeeze %dma_wait3A_355 : memref<1x128xi32, #tpu.memory_space<vmem>> -> memref<128xi32, #tpu.memory_space<vmem>>
    %dma_wait3A_357 = arith.constant 0 : i32
    %dma_wait3A_358 = tpu.memref_slice %arg2[%dma_wait3A_357] : memref<1048576xf32, #tpu.memory_space<hbm>> -> memref<1048576xf32, #tpu.memory_space<hbm>>
    tpu.wait_indirect_dma semaphore(%arg7 : memref<!tpu.dma_semaphore, #tpu.memory_space<semaphore_mem>>) src(%dma_wait3A_358 : memref<1048576xf32, #tpu.memory_space<hbm>>) dst(%dma_wait3A_353 : memref<128xf32, #tpu.memory_space<vmem>>)
    %dma_wait3A_359 = arith.constant 1 : i32
    %dma_wait3A_360 = arith.constant 1 : i32
    %dma_wait3A_361 = arith.constant 0 : i32
    %dma_wait3A_362 = tpu.memref_slice %arg6[%dma_wait3A_360, %dma_wait3A_361] : memref<28x128xf32, #tpu.memory_space<vmem>> -> memref<1x128xf32, #tpu.memory_space<vmem>>
    %dma_wait3A_363 = tpu.memref_squeeze %dma_wait3A_362 : memref<1x128xf32, #tpu.memory_space<vmem>> -> memref<128xf32, #tpu.memory_space<vmem>>
    %dma_wait3A_364 = arith.constant 0 : i32
    %dma_wait3A_365 = tpu.memref_slice %arg5[%dma_wait3A_359, %dma_wait3A_364] : memref<28x128xi32, #tpu.memory_space<vmem>> -> memref<1x128xi32, #tpu.memory_space<vmem>>
    %dma_wait3A_366 = tpu.memref_squeeze %dma_wait3A_365 : memref<1x128xi32, #tpu.memory_space<vmem>> -> memref<128xi32, #tpu.memory_space<vmem>>
    %dma_wait3A_367 = arith.constant 0 : i32
    %dma_wait3A_368 = tpu.memref_slice %arg2[%dma_wait3A_367] : memref<1048576xf32, #tpu.memory_space<hbm>> -> memref<1048576xf32, #tpu.memory_space<hbm>>
    tpu.wait_indirect_dma semaphore(%arg7 : memref<!tpu.dma_semaphore, #tpu.memory_space<semaphore_mem>>) src(%dma_wait3A_368 : memref<1048576xf32, #tpu.memory_space<hbm>>) dst(%dma_wait3A_363 : memref<128xf32, #tpu.memory_space<vmem>>)
    %dma_wait3A_369 = arith.constant 2 : i32
    %dma_wait3A_370 = arith.constant 2 : i32
    %dma_wait3A_371 = arith.constant 0 : i32
    %dma_wait3A_372 = tpu.memref_slice %arg6[%dma_wait3A_370, %dma_wait3A_371] : memref<28x128xf32, #tpu.memory_space<vmem>> -> memref<1x128xf32, #tpu.memory_space<vmem>>
    %dma_wait3A_373 = tpu.memref_squeeze %dma_wait3A_372 : memref<1x128xf32, #tpu.memory_space<vmem>> -> memref<128xf32, #tpu.memory_space<vmem>>
    %dma_wait3A_374 = arith.constant 0 : i32
    %dma_wait3A_375 = tpu.memref_slice %arg5[%dma_wait3A_369, %dma_wait3A_374] : memref<28x128xi32, #tpu.memory_space<vmem>> -> memref<1x128xi32, #tpu.memory_space<vmem>>
    %dma_wait3A_376 = tpu.memref_squeeze %dma_wait3A_375 : memref<1x128xi32, #tpu.memory_space<vmem>> -> memref<128xi32, #tpu.memory_space<vmem>>
    %dma_wait3A_377 = arith.constant 0 : i32
    %dma_wait3A_378 = tpu.memref_slice %arg2[%dma_wait3A_377] : memref<1048576xf32, #tpu.memory_space<hbm>> -> memref<1048576xf32, #tpu.memory_space<hbm>>
    tpu.wait_indirect_dma semaphore(%arg7 : memref<!tpu.dma_semaphore, #tpu.memory_space<semaphore_mem>>) src(%dma_wait3A_378 : memref<1048576xf32, #tpu.memory_space<hbm>>) dst(%dma_wait3A_373 : memref<128xf32, #tpu.memory_space<vmem>>)
    %dma_wait3A_379 = arith.constant 3 : i32
    %dma_wait3A_380 = arith.constant 3 : i32
    %dma_wait3A_381 = arith.constant 0 : i32
    %dma_wait3A_382 = tpu.memref_slice %arg6[%dma_wait3A_380, %dma_wait3A_381] : memref<28x128xf32, #tpu.memory_space<vmem>> -> memref<1x128xf32, #tpu.memory_space<vmem>>
    %dma_wait3A_383 = tpu.memref_squeeze %dma_wait3A_382 : memref<1x128xf32, #tpu.memory_space<vmem>> -> memref<128xf32, #tpu.memory_space<vmem>>
    %dma_wait3A_384 = arith.constant 0 : i32
    %dma_wait3A_385 = tpu.memref_slice %arg5[%dma_wait3A_379, %dma_wait3A_384] : memref<28x128xi32, #tpu.memory_space<vmem>> -> memref<1x128xi32, #tpu.memory_space<vmem>>
    %dma_wait3A_386 = tpu.memref_squeeze %dma_wait3A_385 : memref<1x128xi32, #tpu.memory_space<vmem>> -> memref<128xi32, #tpu.memory_space<vmem>>
    %dma_wait3A_387 = arith.constant 0 : i32
    %dma_wait3A_388 = tpu.memref_slice %arg2[%dma_wait3A_387] : memref<1048576xf32, #tpu.memory_space<hbm>> -> memref<1048576xf32, #tpu.memory_space<hbm>>
    tpu.wait_indirect_dma semaphore(%arg7 : memref<!tpu.dma_semaphore, #tpu.memory_space<semaphore_mem>>) src(%dma_wait3A_388 : memref<1048576xf32, #tpu.memory_space<hbm>>) dst(%dma_wait3A_383 : memref<128xf32, #tpu.memory_space<vmem>>)
    %dma_wait3A_389 = arith.constant 4 : i32
    %dma_wait3A_390 = arith.constant 4 : i32
    %dma_wait3A_391 = arith.constant 0 : i32
    %dma_wait3A_392 = tpu.memref_slice %arg6[%dma_wait3A_390, %dma_wait3A_391] : memref<28x128xf32, #tpu.memory_space<vmem>> -> memref<1x128xf32, #tpu.memory_space<vmem>>
    %dma_wait3A_393 = tpu.memref_squeeze %dma_wait3A_392 : memref<1x128xf32, #tpu.memory_space<vmem>> -> memref<128xf32, #tpu.memory_space<vmem>>
    %dma_wait3A_394 = arith.constant 0 : i32
    %dma_wait3A_395 = tpu.memref_slice %arg5[%dma_wait3A_389, %dma_wait3A_394] : memref<28x128xi32, #tpu.memory_space<vmem>> -> memref<1x128xi32, #tpu.memory_space<vmem>>
    %dma_wait3A_396 = tpu.memref_squeeze %dma_wait3A_395 : memref<1x128xi32, #tpu.memory_space<vmem>> -> memref<128xi32, #tpu.memory_space<vmem>>
    %dma_wait3A_397 = arith.constant 0 : i32
    %dma_wait3A_398 = tpu.memref_slice %arg2[%dma_wait3A_397] : memref<1048576xf32, #tpu.memory_space<hbm>> -> memref<1048576xf32, #tpu.memory_space<hbm>>
    tpu.wait_indirect_dma semaphore(%arg7 : memref<!tpu.dma_semaphore, #tpu.memory_space<semaphore_mem>>) src(%dma_wait3A_398 : memref<1048576xf32, #tpu.memory_space<hbm>>) dst(%dma_wait3A_393 : memref<128xf32, #tpu.memory_space<vmem>>)
    %dma_wait3A_399 = arith.constant 5 : i32
    %dma_wait3A_400 = arith.constant 5 : i32
    %dma_wait3A_401 = arith.constant 0 : i32
    %dma_wait3A_402 = tpu.memref_slice %arg6[%dma_wait3A_400, %dma_wait3A_401] : memref<28x128xf32, #tpu.memory_space<vmem>> -> memref<1x128xf32, #tpu.memory_space<vmem>>
    %dma_wait3A_403 = tpu.memref_squeeze %dma_wait3A_402 : memref<1x128xf32, #tpu.memory_space<vmem>> -> memref<128xf32, #tpu.memory_space<vmem>>
    %dma_wait3A_404 = arith.constant 0 : i32
    %dma_wait3A_405 = tpu.memref_slice %arg5[%dma_wait3A_399, %dma_wait3A_404] : memref<28x128xi32, #tpu.memory_space<vmem>> -> memref<1x128xi32, #tpu.memory_space<vmem>>
    %dma_wait3A_406 = tpu.memref_squeeze %dma_wait3A_405 : memref<1x128xi32, #tpu.memory_space<vmem>> -> memref<128xi32, #tpu.memory_space<vmem>>
    %dma_wait3A_407 = arith.constant 0 : i32
    %dma_wait3A_408 = tpu.memref_slice %arg2[%dma_wait3A_407] : memref<1048576xf32, #tpu.memory_space<hbm>> -> memref<1048576xf32, #tpu.memory_space<hbm>>
    tpu.wait_indirect_dma semaphore(%arg7 : memref<!tpu.dma_semaphore, #tpu.memory_space<semaphore_mem>>) src(%dma_wait3A_408 : memref<1048576xf32, #tpu.memory_space<hbm>>) dst(%dma_wait3A_403 : memref<128xf32, #tpu.memory_space<vmem>>)
    %dma_wait3A_409 = arith.constant 6 : i32
    %dma_wait3A_410 = arith.constant 6 : i32
    %dma_wait3A_411 = arith.constant 0 : i32
    %dma_wait3A_412 = tpu.memref_slice %arg6[%dma_wait3A_410, %dma_wait3A_411] : memref<28x128xf32, #tpu.memory_space<vmem>> -> memref<1x128xf32, #tpu.memory_space<vmem>>
    %dma_wait3A_413 = tpu.memref_squeeze %dma_wait3A_412 : memref<1x128xf32, #tpu.memory_space<vmem>> -> memref<128xf32, #tpu.memory_space<vmem>>
    %dma_wait3A_414 = arith.constant 0 : i32
    %dma_wait3A_415 = tpu.memref_slice %arg5[%dma_wait3A_409, %dma_wait3A_414] : memref<28x128xi32, #tpu.memory_space<vmem>> -> memref<1x128xi32, #tpu.memory_space<vmem>>
    %dma_wait3A_416 = tpu.memref_squeeze %dma_wait3A_415 : memref<1x128xi32, #tpu.memory_space<vmem>> -> memref<128xi32, #tpu.memory_space<vmem>>
    %dma_wait3A_417 = arith.constant 0 : i32
    %dma_wait3A_418 = tpu.memref_slice %arg2[%dma_wait3A_417] : memref<1048576xf32, #tpu.memory_space<hbm>> -> memref<1048576xf32, #tpu.memory_space<hbm>>
    tpu.wait_indirect_dma semaphore(%arg7 : memref<!tpu.dma_semaphore, #tpu.memory_space<semaphore_mem>>) src(%dma_wait3A_418 : memref<1048576xf32, #tpu.memory_space<hbm>>) dst(%dma_wait3A_413 : memref<128xf32, #tpu.memory_space<vmem>>)
    %dma_wait3A_419 = arith.constant 7 : i32
    %dma_wait3A_420 = arith.constant 7 : i32
    %dma_wait3A_421 = arith.constant 0 : i32
    %dma_wait3A_422 = tpu.memref_slice %arg6[%dma_wait3A_420, %dma_wait3A_421] : memref<28x128xf32, #tpu.memory_space<vmem>> -> memref<1x128xf32, #tpu.memory_space<vmem>>
    %dma_wait3A_423 = tpu.memref_squeeze %dma_wait3A_422 : memref<1x128xf32, #tpu.memory_space<vmem>> -> memref<128xf32, #tpu.memory_space<vmem>>
    %dma_wait3A_424 = arith.constant 0 : i32
    %dma_wait3A_425 = tpu.memref_slice %arg5[%dma_wait3A_419, %dma_wait3A_424] : memref<28x128xi32, #tpu.memory_space<vmem>> -> memref<1x128xi32, #tpu.memory_space<vmem>>
    %dma_wait3A_426 = tpu.memref_squeeze %dma_wait3A_425 : memref<1x128xi32, #tpu.memory_space<vmem>> -> memref<128xi32, #tpu.memory_space<vmem>>
    %dma_wait3A_427 = arith.constant 0 : i32
    %dma_wait3A_428 = tpu.memref_slice %arg2[%dma_wait3A_427] : memref<1048576xf32, #tpu.memory_space<hbm>> -> memref<1048576xf32, #tpu.memory_space<hbm>>
    tpu.wait_indirect_dma semaphore(%arg7 : memref<!tpu.dma_semaphore, #tpu.memory_space<semaphore_mem>>) src(%dma_wait3A_428 : memref<1048576xf32, #tpu.memory_space<hbm>>) dst(%dma_wait3A_423 : memref<128xf32, #tpu.memory_space<vmem>>)
    %dma_wait3A_429 = arith.constant 8 : i32
    %dma_wait3A_430 = arith.constant 8 : i32
    %dma_wait3A_431 = arith.constant 0 : i32
    %dma_wait3A_432 = tpu.memref_slice %arg6[%dma_wait3A_430, %dma_wait3A_431] : memref<28x128xf32, #tpu.memory_space<vmem>> -> memref<1x128xf32, #tpu.memory_space<vmem>>
    %dma_wait3A_433 = tpu.memref_squeeze %dma_wait3A_432 : memref<1x128xf32, #tpu.memory_space<vmem>> -> memref<128xf32, #tpu.memory_space<vmem>>
    %dma_wait3A_434 = arith.constant 0 : i32
    %dma_wait3A_435 = tpu.memref_slice %arg5[%dma_wait3A_429, %dma_wait3A_434] : memref<28x128xi32, #tpu.memory_space<vmem>> -> memref<1x128xi32, #tpu.memory_space<vmem>>
    %dma_wait3A_436 = tpu.memref_squeeze %dma_wait3A_435 : memref<1x128xi32, #tpu.memory_space<vmem>> -> memref<128xi32, #tpu.memory_space<vmem>>
    %dma_wait3A_437 = arith.constant 0 : i32
    %dma_wait3A_438 = tpu.memref_slice %arg2[%dma_wait3A_437] : memref<1048576xf32, #tpu.memory_space<hbm>> -> memref<1048576xf32, #tpu.memory_space<hbm>>
    tpu.wait_indirect_dma semaphore(%arg7 : memref<!tpu.dma_semaphore, #tpu.memory_space<semaphore_mem>>) src(%dma_wait3A_438 : memref<1048576xf32, #tpu.memory_space<hbm>>) dst(%dma_wait3A_433 : memref<128xf32, #tpu.memory_space<vmem>>)
    %dma_wait3A_439 = arith.constant 9 : i32
    %dma_wait3A_440 = arith.constant 9 : i32
    %dma_wait3A_441 = arith.constant 0 : i32
    %dma_wait3A_442 = tpu.memref_slice %arg6[%dma_wait3A_440, %dma_wait3A_441] : memref<28x128xf32, #tpu.memory_space<vmem>> -> memref<1x128xf32, #tpu.memory_space<vmem>>
    %dma_wait3A_443 = tpu.memref_squeeze %dma_wait3A_442 : memref<1x128xf32, #tpu.memory_space<vmem>> -> memref<128xf32, #tpu.memory_space<vmem>>
    %dma_wait3A_444 = arith.constant 0 : i32
    %dma_wait3A_445 = tpu.memref_slice %arg5[%dma_wait3A_439, %dma_wait3A_444] : memref<28x128xi32, #tpu.memory_space<vmem>> -> memref<1x128xi32, #tpu.memory_space<vmem>>
    %dma_wait3A_446 = tpu.memref_squeeze %dma_wait3A_445 : memref<1x128xi32, #tpu.memory_space<vmem>> -> memref<128xi32, #tpu.memory_space<vmem>>
    %dma_wait3A_447 = arith.constant 0 : i32
    %dma_wait3A_448 = tpu.memref_slice %arg2[%dma_wait3A_447] : memref<1048576xf32, #tpu.memory_space<hbm>> -> memref<1048576xf32, #tpu.memory_space<hbm>>
    tpu.wait_indirect_dma semaphore(%arg7 : memref<!tpu.dma_semaphore, #tpu.memory_space<semaphore_mem>>) src(%dma_wait3A_448 : memref<1048576xf32, #tpu.memory_space<hbm>>) dst(%dma_wait3A_443 : memref<128xf32, #tpu.memory_space<vmem>>)
    %dma_wait3A_449 = arith.constant 10 : i32
    %dma_wait3A_450 = arith.constant 10 : i32
    %dma_wait3A_451 = arith.constant 0 : i32
    %dma_wait3A_452 = tpu.memref_slice %arg6[%dma_wait3A_450, %dma_wait3A_451] : memref<28x128xf32, #tpu.memory_space<vmem>> -> memref<1x128xf32, #tpu.memory_space<vmem>>
    %dma_wait3A_453 = tpu.memref_squeeze %dma_wait3A_452 : memref<1x128xf32, #tpu.memory_space<vmem>> -> memref<128xf32, #tpu.memory_space<vmem>>
    %dma_wait3A_454 = arith.constant 0 : i32
    %dma_wait3A_455 = tpu.memref_slice %arg5[%dma_wait3A_449, %dma_wait3A_454] : memref<28x128xi32, #tpu.memory_space<vmem>> -> memref<1x128xi32, #tpu.memory_space<vmem>>
    %dma_wait3A_456 = tpu.memref_squeeze %dma_wait3A_455 : memref<1x128xi32, #tpu.memory_space<vmem>> -> memref<128xi32, #tpu.memory_space<vmem>>
    %dma_wait3A_457 = arith.constant 0 : i32
    %dma_wait3A_458 = tpu.memref_slice %arg2[%dma_wait3A_457] : memref<1048576xf32, #tpu.memory_space<hbm>> -> memref<1048576xf32, #tpu.memory_space<hbm>>
    tpu.wait_indirect_dma semaphore(%arg7 : memref<!tpu.dma_semaphore, #tpu.memory_space<semaphore_mem>>) src(%dma_wait3A_458 : memref<1048576xf32, #tpu.memory_space<hbm>>) dst(%dma_wait3A_453 : memref<128xf32, #tpu.memory_space<vmem>>)
    %dma_wait3A_459 = arith.constant 11 : i32
    %dma_wait3A_460 = arith.constant 11 : i32
    %dma_wait3A_461 = arith.constant 0 : i32
    %dma_wait3A_462 = tpu.memref_slice %arg6[%dma_wait3A_460, %dma_wait3A_461] : memref<28x128xf32, #tpu.memory_space<vmem>> -> memref<1x128xf32, #tpu.memory_space<vmem>>
    %dma_wait3A_463 = tpu.memref_squeeze %dma_wait3A_462 : memref<1x128xf32, #tpu.memory_space<vmem>> -> memref<128xf32, #tpu.memory_space<vmem>>
    %dma_wait3A_464 = arith.constant 0 : i32
    %dma_wait3A_465 = tpu.memref_slice %arg5[%dma_wait3A_459, %dma_wait3A_464] : memref<28x128xi32, #tpu.memory_space<vmem>> -> memref<1x128xi32, #tpu.memory_space<vmem>>
    %dma_wait3A_466 = tpu.memref_squeeze %dma_wait3A_465 : memref<1x128xi32, #tpu.memory_space<vmem>> -> memref<128xi32, #tpu.memory_space<vmem>>
    %dma_wait3A_467 = arith.constant 0 : i32
    %dma_wait3A_468 = tpu.memref_slice %arg2[%dma_wait3A_467] : memref<1048576xf32, #tpu.memory_space<hbm>> -> memref<1048576xf32, #tpu.memory_space<hbm>>
    tpu.wait_indirect_dma semaphore(%arg7 : memref<!tpu.dma_semaphore, #tpu.memory_space<semaphore_mem>>) src(%dma_wait3A_468 : memref<1048576xf32, #tpu.memory_space<hbm>>) dst(%dma_wait3A_463 : memref<128xf32, #tpu.memory_space<vmem>>)
    %dma_wait3A_469 = arith.constant 12 : i32
    %dma_wait3A_470 = arith.constant 12 : i32
    %dma_wait3A_471 = arith.constant 0 : i32
    %dma_wait3A_472 = tpu.memref_slice %arg6[%dma_wait3A_470, %dma_wait3A_471] : memref<28x128xf32, #tpu.memory_space<vmem>> -> memref<1x128xf32, #tpu.memory_space<vmem>>
    %dma_wait3A_473 = tpu.memref_squeeze %dma_wait3A_472 : memref<1x128xf32, #tpu.memory_space<vmem>> -> memref<128xf32, #tpu.memory_space<vmem>>
    %dma_wait3A_474 = arith.constant 0 : i32
    %dma_wait3A_475 = tpu.memref_slice %arg5[%dma_wait3A_469, %dma_wait3A_474] : memref<28x128xi32, #tpu.memory_space<vmem>> -> memref<1x128xi32, #tpu.memory_space<vmem>>
    %dma_wait3A_476 = tpu.memref_squeeze %dma_wait3A_475 : memref<1x128xi32, #tpu.memory_space<vmem>> -> memref<128xi32, #tpu.memory_space<vmem>>
    %dma_wait3A_477 = arith.constant 0 : i32
    %dma_wait3A_478 = tpu.memref_slice %arg2[%dma_wait3A_477] : memref<1048576xf32, #tpu.memory_space<hbm>> -> memref<1048576xf32, #tpu.memory_space<hbm>>
    tpu.wait_indirect_dma semaphore(%arg7 : memref<!tpu.dma_semaphore, #tpu.memory_space<semaphore_mem>>) src(%dma_wait3A_478 : memref<1048576xf32, #tpu.memory_space<hbm>>) dst(%dma_wait3A_473 : memref<128xf32, #tpu.memory_space<vmem>>)
    %dma_wait3A_479 = arith.constant 13 : i32
    %dma_wait3A_480 = arith.constant 13 : i32
    %dma_wait3A_481 = arith.constant 0 : i32
    %dma_wait3A_482 = tpu.memref_slice %arg6[%dma_wait3A_480, %dma_wait3A_481] : memref<28x128xf32, #tpu.memory_space<vmem>> -> memref<1x128xf32, #tpu.memory_space<vmem>>
    %dma_wait3A_483 = tpu.memref_squeeze %dma_wait3A_482 : memref<1x128xf32, #tpu.memory_space<vmem>> -> memref<128xf32, #tpu.memory_space<vmem>>
    %dma_wait3A_484 = arith.constant 0 : i32
    %dma_wait3A_485 = tpu.memref_slice %arg5[%dma_wait3A_479, %dma_wait3A_484] : memref<28x128xi32, #tpu.memory_space<vmem>> -> memref<1x128xi32, #tpu.memory_space<vmem>>
    %dma_wait3A_486 = tpu.memref_squeeze %dma_wait3A_485 : memref<1x128xi32, #tpu.memory_space<vmem>> -> memref<128xi32, #tpu.memory_space<vmem>>
    %dma_wait3A_487 = arith.constant 0 : i32
    %dma_wait3A_488 = tpu.memref_slice %arg2[%dma_wait3A_487] : memref<1048576xf32, #tpu.memory_space<hbm>> -> memref<1048576xf32, #tpu.memory_space<hbm>>
    tpu.wait_indirect_dma semaphore(%arg7 : memref<!tpu.dma_semaphore, #tpu.memory_space<semaphore_mem>>) src(%dma_wait3A_488 : memref<1048576xf32, #tpu.memory_space<hbm>>) dst(%dma_wait3A_483 : memref<128xf32, #tpu.memory_space<vmem>>)
    %dma_wait3A_489 = arith.constant 14 : i32
    %dma_wait3A_490 = arith.constant 14 : i32
    %dma_wait3A_491 = arith.constant 0 : i32
    %dma_wait3A_492 = tpu.memref_slice %arg6[%dma_wait3A_490, %dma_wait3A_491] : memref<28x128xf32, #tpu.memory_space<vmem>> -> memref<1x128xf32, #tpu.memory_space<vmem>>
    %dma_wait3A_493 = tpu.memref_squeeze %dma_wait3A_492 : memref<1x128xf32, #tpu.memory_space<vmem>> -> memref<128xf32, #tpu.memory_space<vmem>>
    %dma_wait3A_494 = arith.constant 0 : i32
    %dma_wait3A_495 = tpu.memref_slice %arg5[%dma_wait3A_489, %dma_wait3A_494] : memref<28x128xi32, #tpu.memory_space<vmem>> -> memref<1x128xi32, #tpu.memory_space<vmem>>
    %dma_wait3A_496 = tpu.memref_squeeze %dma_wait3A_495 : memref<1x128xi32, #tpu.memory_space<vmem>> -> memref<128xi32, #tpu.memory_space<vmem>>
    %dma_wait3A_497 = arith.constant 0 : i32
    %dma_wait3A_498 = tpu.memref_slice %arg2[%dma_wait3A_497] : memref<1048576xf32, #tpu.memory_space<hbm>> -> memref<1048576xf32, #tpu.memory_space<hbm>>
    tpu.wait_indirect_dma semaphore(%arg7 : memref<!tpu.dma_semaphore, #tpu.memory_space<semaphore_mem>>) src(%dma_wait3A_498 : memref<1048576xf32, #tpu.memory_space<hbm>>) dst(%dma_wait3A_493 : memref<128xf32, #tpu.memory_space<vmem>>)
    %dma_wait3A_499 = arith.constant 15 : i32
    %dma_wait3A_500 = arith.constant 15 : i32
    %dma_wait3A_501 = arith.constant 0 : i32
    %dma_wait3A_502 = tpu.memref_slice %arg6[%dma_wait3A_500, %dma_wait3A_501] : memref<28x128xf32, #tpu.memory_space<vmem>> -> memref<1x128xf32, #tpu.memory_space<vmem>>
    %dma_wait3A_503 = tpu.memref_squeeze %dma_wait3A_502 : memref<1x128xf32, #tpu.memory_space<vmem>> -> memref<128xf32, #tpu.memory_space<vmem>>
    %dma_wait3A_504 = arith.constant 0 : i32
    %dma_wait3A_505 = tpu.memref_slice %arg5[%dma_wait3A_499, %dma_wait3A_504] : memref<28x128xi32, #tpu.memory_space<vmem>> -> memref<1x128xi32, #tpu.memory_space<vmem>>
    %dma_wait3A_506 = tpu.memref_squeeze %dma_wait3A_505 : memref<1x128xi32, #tpu.memory_space<vmem>> -> memref<128xi32, #tpu.memory_space<vmem>>
    %dma_wait3A_507 = arith.constant 0 : i32
    %dma_wait3A_508 = tpu.memref_slice %arg2[%dma_wait3A_507] : memref<1048576xf32, #tpu.memory_space<hbm>> -> memref<1048576xf32, #tpu.memory_space<hbm>>
    tpu.wait_indirect_dma semaphore(%arg7 : memref<!tpu.dma_semaphore, #tpu.memory_space<semaphore_mem>>) src(%dma_wait3A_508 : memref<1048576xf32, #tpu.memory_space<hbm>>) dst(%dma_wait3A_503 : memref<128xf32, #tpu.memory_space<vmem>>)
    %dma_wait3A_509 = arith.constant 16 : i32
    %dma_wait3A_510 = arith.constant 16 : i32
    %dma_wait3A_511 = arith.constant 0 : i32
    %dma_wait3A_512 = tpu.memref_slice %arg6[%dma_wait3A_510, %dma_wait3A_511] : memref<28x128xf32, #tpu.memory_space<vmem>> -> memref<1x128xf32, #tpu.memory_space<vmem>>
    %dma_wait3A_513 = tpu.memref_squeeze %dma_wait3A_512 : memref<1x128xf32, #tpu.memory_space<vmem>> -> memref<128xf32, #tpu.memory_space<vmem>>
    %dma_wait3A_514 = arith.constant 0 : i32
    %dma_wait3A_515 = tpu.memref_slice %arg5[%dma_wait3A_509, %dma_wait3A_514] : memref<28x128xi32, #tpu.memory_space<vmem>> -> memref<1x128xi32, #tpu.memory_space<vmem>>
    %dma_wait3A_516 = tpu.memref_squeeze %dma_wait3A_515 : memref<1x128xi32, #tpu.memory_space<vmem>> -> memref<128xi32, #tpu.memory_space<vmem>>
    %dma_wait3A_517 = arith.constant 0 : i32
    %dma_wait3A_518 = tpu.memref_slice %arg2[%dma_wait3A_517] : memref<1048576xf32, #tpu.memory_space<hbm>> -> memref<1048576xf32, #tpu.memory_space<hbm>>
    tpu.wait_indirect_dma semaphore(%arg7 : memref<!tpu.dma_semaphore, #tpu.memory_space<semaphore_mem>>) src(%dma_wait3A_518 : memref<1048576xf32, #tpu.memory_space<hbm>>) dst(%dma_wait3A_513 : memref<128xf32, #tpu.memory_space<vmem>>)
    %dma_wait3A_519 = arith.constant 17 : i32
    %dma_wait3A_520 = arith.constant 17 : i32
    %dma_wait3A_521 = arith.constant 0 : i32
    %dma_wait3A_522 = tpu.memref_slice %arg6[%dma_wait3A_520, %dma_wait3A_521] : memref<28x128xf32, #tpu.memory_space<vmem>> -> memref<1x128xf32, #tpu.memory_space<vmem>>
    %dma_wait3A_523 = tpu.memref_squeeze %dma_wait3A_522 : memref<1x128xf32, #tpu.memory_space<vmem>> -> memref<128xf32, #tpu.memory_space<vmem>>
    %dma_wait3A_524 = arith.constant 0 : i32
    %dma_wait3A_525 = tpu.memref_slice %arg5[%dma_wait3A_519, %dma_wait3A_524] : memref<28x128xi32, #tpu.memory_space<vmem>> -> memref<1x128xi32, #tpu.memory_space<vmem>>
    %dma_wait3A_526 = tpu.memref_squeeze %dma_wait3A_525 : memref<1x128xi32, #tpu.memory_space<vmem>> -> memref<128xi32, #tpu.memory_space<vmem>>
    %dma_wait3A_527 = arith.constant 0 : i32
    %dma_wait3A_528 = tpu.memref_slice %arg2[%dma_wait3A_527] : memref<1048576xf32, #tpu.memory_space<hbm>> -> memref<1048576xf32, #tpu.memory_space<hbm>>
    tpu.wait_indirect_dma semaphore(%arg7 : memref<!tpu.dma_semaphore, #tpu.memory_space<semaphore_mem>>) src(%dma_wait3A_528 : memref<1048576xf32, #tpu.memory_space<hbm>>) dst(%dma_wait3A_523 : memref<128xf32, #tpu.memory_space<vmem>>)
    %dma_wait3A_529 = arith.constant 18 : i32
    %dma_wait3A_530 = arith.constant 18 : i32
    %dma_wait3A_531 = arith.constant 0 : i32
    %dma_wait3A_532 = tpu.memref_slice %arg6[%dma_wait3A_530, %dma_wait3A_531] : memref<28x128xf32, #tpu.memory_space<vmem>> -> memref<1x128xf32, #tpu.memory_space<vmem>>
    %dma_wait3A_533 = tpu.memref_squeeze %dma_wait3A_532 : memref<1x128xf32, #tpu.memory_space<vmem>> -> memref<128xf32, #tpu.memory_space<vmem>>
    %dma_wait3A_534 = arith.constant 0 : i32
    %dma_wait3A_535 = tpu.memref_slice %arg5[%dma_wait3A_529, %dma_wait3A_534] : memref<28x128xi32, #tpu.memory_space<vmem>> -> memref<1x128xi32, #tpu.memory_space<vmem>>
    %dma_wait3A_536 = tpu.memref_squeeze %dma_wait3A_535 : memref<1x128xi32, #tpu.memory_space<vmem>> -> memref<128xi32, #tpu.memory_space<vmem>>
    %dma_wait3A_537 = arith.constant 0 : i32
    %dma_wait3A_538 = tpu.memref_slice %arg2[%dma_wait3A_537] : memref<1048576xf32, #tpu.memory_space<hbm>> -> memref<1048576xf32, #tpu.memory_space<hbm>>
    tpu.wait_indirect_dma semaphore(%arg7 : memref<!tpu.dma_semaphore, #tpu.memory_space<semaphore_mem>>) src(%dma_wait3A_538 : memref<1048576xf32, #tpu.memory_space<hbm>>) dst(%dma_wait3A_533 : memref<128xf32, #tpu.memory_space<vmem>>)
    %dma_wait3A_539 = arith.constant 19 : i32
    %dma_wait3A_540 = arith.constant 19 : i32
    %dma_wait3A_541 = arith.constant 0 : i32
    %dma_wait3A_542 = tpu.memref_slice %arg6[%dma_wait3A_540, %dma_wait3A_541] : memref<28x128xf32, #tpu.memory_space<vmem>> -> memref<1x128xf32, #tpu.memory_space<vmem>>
    %dma_wait3A_543 = tpu.memref_squeeze %dma_wait3A_542 : memref<1x128xf32, #tpu.memory_space<vmem>> -> memref<128xf32, #tpu.memory_space<vmem>>
    %dma_wait3A_544 = arith.constant 0 : i32
    %dma_wait3A_545 = tpu.memref_slice %arg5[%dma_wait3A_539, %dma_wait3A_544] : memref<28x128xi32, #tpu.memory_space<vmem>> -> memref<1x128xi32, #tpu.memory_space<vmem>>
    %dma_wait3A_546 = tpu.memref_squeeze %dma_wait3A_545 : memref<1x128xi32, #tpu.memory_space<vmem>> -> memref<128xi32, #tpu.memory_space<vmem>>
    %dma_wait3A_547 = arith.constant 0 : i32
    %dma_wait3A_548 = tpu.memref_slice %arg2[%dma_wait3A_547] : memref<1048576xf32, #tpu.memory_space<hbm>> -> memref<1048576xf32, #tpu.memory_space<hbm>>
    tpu.wait_indirect_dma semaphore(%arg7 : memref<!tpu.dma_semaphore, #tpu.memory_space<semaphore_mem>>) src(%dma_wait3A_548 : memref<1048576xf32, #tpu.memory_space<hbm>>) dst(%dma_wait3A_543 : memref<128xf32, #tpu.memory_space<vmem>>)
    %dma_wait3A_549 = arith.constant 20 : i32
    %dma_wait3A_550 = arith.constant 20 : i32
    %dma_wait3A_551 = arith.constant 0 : i32
    %dma_wait3A_552 = tpu.memref_slice %arg6[%dma_wait3A_550, %dma_wait3A_551] : memref<28x128xf32, #tpu.memory_space<vmem>> -> memref<1x128xf32, #tpu.memory_space<vmem>>
    %dma_wait3A_553 = tpu.memref_squeeze %dma_wait3A_552 : memref<1x128xf32, #tpu.memory_space<vmem>> -> memref<128xf32, #tpu.memory_space<vmem>>
    %dma_wait3A_554 = arith.constant 0 : i32
    %dma_wait3A_555 = tpu.memref_slice %arg5[%dma_wait3A_549, %dma_wait3A_554] : memref<28x128xi32, #tpu.memory_space<vmem>> -> memref<1x128xi32, #tpu.memory_space<vmem>>
    %dma_wait3A_556 = tpu.memref_squeeze %dma_wait3A_555 : memref<1x128xi32, #tpu.memory_space<vmem>> -> memref<128xi32, #tpu.memory_space<vmem>>
    %dma_wait3A_557 = arith.constant 0 : i32
    %dma_wait3A_558 = tpu.memref_slice %arg2[%dma_wait3A_557] : memref<1048576xf32, #tpu.memory_space<hbm>> -> memref<1048576xf32, #tpu.memory_space<hbm>>
    tpu.wait_indirect_dma semaphore(%arg7 : memref<!tpu.dma_semaphore, #tpu.memory_space<semaphore_mem>>) src(%dma_wait3A_558 : memref<1048576xf32, #tpu.memory_space<hbm>>) dst(%dma_wait3A_553 : memref<128xf32, #tpu.memory_space<vmem>>)
    %dma_wait3A_559 = arith.constant 21 : i32
    %dma_wait3A_560 = arith.constant 21 : i32
    %dma_wait3A_561 = arith.constant 0 : i32
    %dma_wait3A_562 = tpu.memref_slice %arg6[%dma_wait3A_560, %dma_wait3A_561] : memref<28x128xf32, #tpu.memory_space<vmem>> -> memref<1x128xf32, #tpu.memory_space<vmem>>
    %dma_wait3A_563 = tpu.memref_squeeze %dma_wait3A_562 : memref<1x128xf32, #tpu.memory_space<vmem>> -> memref<128xf32, #tpu.memory_space<vmem>>
    %dma_wait3A_564 = arith.constant 0 : i32
    %dma_wait3A_565 = tpu.memref_slice %arg5[%dma_wait3A_559, %dma_wait3A_564] : memref<28x128xi32, #tpu.memory_space<vmem>> -> memref<1x128xi32, #tpu.memory_space<vmem>>
    %dma_wait3A_566 = tpu.memref_squeeze %dma_wait3A_565 : memref<1x128xi32, #tpu.memory_space<vmem>> -> memref<128xi32, #tpu.memory_space<vmem>>
    %dma_wait3A_567 = arith.constant 0 : i32
    %dma_wait3A_568 = tpu.memref_slice %arg2[%dma_wait3A_567] : memref<1048576xf32, #tpu.memory_space<hbm>> -> memref<1048576xf32, #tpu.memory_space<hbm>>
    tpu.wait_indirect_dma semaphore(%arg7 : memref<!tpu.dma_semaphore, #tpu.memory_space<semaphore_mem>>) src(%dma_wait3A_568 : memref<1048576xf32, #tpu.memory_space<hbm>>) dst(%dma_wait3A_563 : memref<128xf32, #tpu.memory_space<vmem>>)
    %dma_wait3A_569 = arith.constant 22 : i32
    %dma_wait3A_570 = arith.constant 22 : i32
    %dma_wait3A_571 = arith.constant 0 : i32
    %dma_wait3A_572 = tpu.memref_slice %arg6[%dma_wait3A_570, %dma_wait3A_571] : memref<28x128xf32, #tpu.memory_space<vmem>> -> memref<1x128xf32, #tpu.memory_space<vmem>>
    %dma_wait3A_573 = tpu.memref_squeeze %dma_wait3A_572 : memref<1x128xf32, #tpu.memory_space<vmem>> -> memref<128xf32, #tpu.memory_space<vmem>>
    %dma_wait3A_574 = arith.constant 0 : i32
    %dma_wait3A_575 = tpu.memref_slice %arg5[%dma_wait3A_569, %dma_wait3A_574] : memref<28x128xi32, #tpu.memory_space<vmem>> -> memref<1x128xi32, #tpu.memory_space<vmem>>
    %dma_wait3A_576 = tpu.memref_squeeze %dma_wait3A_575 : memref<1x128xi32, #tpu.memory_space<vmem>> -> memref<128xi32, #tpu.memory_space<vmem>>
    %dma_wait3A_577 = arith.constant 0 : i32
    %dma_wait3A_578 = tpu.memref_slice %arg2[%dma_wait3A_577] : memref<1048576xf32, #tpu.memory_space<hbm>> -> memref<1048576xf32, #tpu.memory_space<hbm>>
    tpu.wait_indirect_dma semaphore(%arg7 : memref<!tpu.dma_semaphore, #tpu.memory_space<semaphore_mem>>) src(%dma_wait3A_578 : memref<1048576xf32, #tpu.memory_space<hbm>>) dst(%dma_wait3A_573 : memref<128xf32, #tpu.memory_space<vmem>>)
    %dma_wait3A_579 = arith.constant 23 : i32
    %dma_wait3A_580 = arith.constant 23 : i32
    %dma_wait3A_581 = arith.constant 0 : i32
    %dma_wait3A_582 = tpu.memref_slice %arg6[%dma_wait3A_580, %dma_wait3A_581] : memref<28x128xf32, #tpu.memory_space<vmem>> -> memref<1x128xf32, #tpu.memory_space<vmem>>
    %dma_wait3A_583 = tpu.memref_squeeze %dma_wait3A_582 : memref<1x128xf32, #tpu.memory_space<vmem>> -> memref<128xf32, #tpu.memory_space<vmem>>
    %dma_wait3A_584 = arith.constant 0 : i32
    %dma_wait3A_585 = tpu.memref_slice %arg5[%dma_wait3A_579, %dma_wait3A_584] : memref<28x128xi32, #tpu.memory_space<vmem>> -> memref<1x128xi32, #tpu.memory_space<vmem>>
    %dma_wait3A_586 = tpu.memref_squeeze %dma_wait3A_585 : memref<1x128xi32, #tpu.memory_space<vmem>> -> memref<128xi32, #tpu.memory_space<vmem>>
    %dma_wait3A_587 = arith.constant 0 : i32
    %dma_wait3A_588 = tpu.memref_slice %arg2[%dma_wait3A_587] : memref<1048576xf32, #tpu.memory_space<hbm>> -> memref<1048576xf32, #tpu.memory_space<hbm>>
    tpu.wait_indirect_dma semaphore(%arg7 : memref<!tpu.dma_semaphore, #tpu.memory_space<semaphore_mem>>) src(%dma_wait3A_588 : memref<1048576xf32, #tpu.memory_space<hbm>>) dst(%dma_wait3A_583 : memref<128xf32, #tpu.memory_space<vmem>>)
    %dma_wait3A_589 = arith.constant 24 : i32
    %dma_wait3A_590 = arith.constant 24 : i32
    %dma_wait3A_591 = arith.constant 0 : i32
    %dma_wait3A_592 = tpu.memref_slice %arg6[%dma_wait3A_590, %dma_wait3A_591] : memref<28x128xf32, #tpu.memory_space<vmem>> -> memref<1x128xf32, #tpu.memory_space<vmem>>
    %dma_wait3A_593 = tpu.memref_squeeze %dma_wait3A_592 : memref<1x128xf32, #tpu.memory_space<vmem>> -> memref<128xf32, #tpu.memory_space<vmem>>
    %dma_wait3A_594 = arith.constant 0 : i32
    %dma_wait3A_595 = tpu.memref_slice %arg5[%dma_wait3A_589, %dma_wait3A_594] : memref<28x128xi32, #tpu.memory_space<vmem>> -> memref<1x128xi32, #tpu.memory_space<vmem>>
    %dma_wait3A_596 = tpu.memref_squeeze %dma_wait3A_595 : memref<1x128xi32, #tpu.memory_space<vmem>> -> memref<128xi32, #tpu.memory_space<vmem>>
    %dma_wait3A_597 = arith.constant 0 : i32
    %dma_wait3A_598 = tpu.memref_slice %arg2[%dma_wait3A_597] : memref<1048576xf32, #tpu.memory_space<hbm>> -> memref<1048576xf32, #tpu.memory_space<hbm>>
    tpu.wait_indirect_dma semaphore(%arg7 : memref<!tpu.dma_semaphore, #tpu.memory_space<semaphore_mem>>) src(%dma_wait3A_598 : memref<1048576xf32, #tpu.memory_space<hbm>>) dst(%dma_wait3A_593 : memref<128xf32, #tpu.memory_space<vmem>>)
    %dma_wait3A_599 = arith.constant 25 : i32
    %dma_wait3A_600 = arith.constant 25 : i32
    %dma_wait3A_601 = arith.constant 0 : i32
    %dma_wait3A_602 = tpu.memref_slice %arg6[%dma_wait3A_600, %dma_wait3A_601] : memref<28x128xf32, #tpu.memory_space<vmem>> -> memref<1x128xf32, #tpu.memory_space<vmem>>
    %dma_wait3A_603 = tpu.memref_squeeze %dma_wait3A_602 : memref<1x128xf32, #tpu.memory_space<vmem>> -> memref<128xf32, #tpu.memory_space<vmem>>
    %dma_wait3A_604 = arith.constant 0 : i32
    %dma_wait3A_605 = tpu.memref_slice %arg5[%dma_wait3A_599, %dma_wait3A_604] : memref<28x128xi32, #tpu.memory_space<vmem>> -> memref<1x128xi32, #tpu.memory_space<vmem>>
    %dma_wait3A_606 = tpu.memref_squeeze %dma_wait3A_605 : memref<1x128xi32, #tpu.memory_space<vmem>> -> memref<128xi32, #tpu.memory_space<vmem>>
    %dma_wait3A_607 = arith.constant 0 : i32
    %dma_wait3A_608 = tpu.memref_slice %arg2[%dma_wait3A_607] : memref<1048576xf32, #tpu.memory_space<hbm>> -> memref<1048576xf32, #tpu.memory_space<hbm>>
    tpu.wait_indirect_dma semaphore(%arg7 : memref<!tpu.dma_semaphore, #tpu.memory_space<semaphore_mem>>) src(%dma_wait3A_608 : memref<1048576xf32, #tpu.memory_space<hbm>>) dst(%dma_wait3A_603 : memref<128xf32, #tpu.memory_space<vmem>>)
    %dma_wait3A_609 = arith.constant 26 : i32
    %dma_wait3A_610 = arith.constant 26 : i32
    %dma_wait3A_611 = arith.constant 0 : i32
    %dma_wait3A_612 = tpu.memref_slice %arg6[%dma_wait3A_610, %dma_wait3A_611] : memref<28x128xf32, #tpu.memory_space<vmem>> -> memref<1x128xf32, #tpu.memory_space<vmem>>
    %dma_wait3A_613 = tpu.memref_squeeze %dma_wait3A_612 : memref<1x128xf32, #tpu.memory_space<vmem>> -> memref<128xf32, #tpu.memory_space<vmem>>
    %dma_wait3A_614 = arith.constant 0 : i32
    %dma_wait3A_615 = tpu.memref_slice %arg5[%dma_wait3A_609, %dma_wait3A_614] : memref<28x128xi32, #tpu.memory_space<vmem>> -> memref<1x128xi32, #tpu.memory_space<vmem>>
    %dma_wait3A_616 = tpu.memref_squeeze %dma_wait3A_615 : memref<1x128xi32, #tpu.memory_space<vmem>> -> memref<128xi32, #tpu.memory_space<vmem>>
    %dma_wait3A_617 = arith.constant 0 : i32
    %dma_wait3A_618 = tpu.memref_slice %arg2[%dma_wait3A_617] : memref<1048576xf32, #tpu.memory_space<hbm>> -> memref<1048576xf32, #tpu.memory_space<hbm>>
    tpu.wait_indirect_dma semaphore(%arg7 : memref<!tpu.dma_semaphore, #tpu.memory_space<semaphore_mem>>) src(%dma_wait3A_618 : memref<1048576xf32, #tpu.memory_space<hbm>>) dst(%dma_wait3A_613 : memref<128xf32, #tpu.memory_space<vmem>>)
    %dma_wait3A_619 = arith.constant 27 : i32
    %dma_wait3A_620 = arith.constant 27 : i32
    %dma_wait3A_621 = arith.constant 0 : i32
    %dma_wait3A_622 = tpu.memref_slice %arg6[%dma_wait3A_620, %dma_wait3A_621] : memref<28x128xf32, #tpu.memory_space<vmem>> -> memref<1x128xf32, #tpu.memory_space<vmem>>
    %dma_wait3A_623 = tpu.memref_squeeze %dma_wait3A_622 : memref<1x128xf32, #tpu.memory_space<vmem>> -> memref<128xf32, #tpu.memory_space<vmem>>
    %dma_wait3A_624 = arith.constant 0 : i32
    %dma_wait3A_625 = tpu.memref_slice %arg5[%dma_wait3A_619, %dma_wait3A_624] : memref<28x128xi32, #tpu.memory_space<vmem>> -> memref<1x128xi32, #tpu.memory_space<vmem>>
    %dma_wait3A_626 = tpu.memref_squeeze %dma_wait3A_625 : memref<1x128xi32, #tpu.memory_space<vmem>> -> memref<128xi32, #tpu.memory_space<vmem>>
    %dma_wait3A_627 = arith.constant 0 : i32
    %dma_wait3A_628 = tpu.memref_slice %arg2[%dma_wait3A_627] : memref<1048576xf32, #tpu.memory_space<hbm>> -> memref<1048576xf32, #tpu.memory_space<hbm>>
    tpu.wait_indirect_dma semaphore(%arg7 : memref<!tpu.dma_semaphore, #tpu.memory_space<semaphore_mem>>) src(%dma_wait3A_628 : memref<1048576xf32, #tpu.memory_space<hbm>>) dst(%dma_wait3A_623 : memref<128xf32, #tpu.memory_space<vmem>>)
    "tpu.region"() ({
      %run_scoped3A = tpu.sem_alloc : memref<!tpu.dma_semaphore, #tpu.memory_space<semaphore_mem>>
      %dma_start3A_629 = arith.constant 0 : i32
      %dma_start3A_630 = arith.constant 0 : i32
      %dma_start3A_631 = arith.constant 0 : i32
      %dma_start3A_632 = arith.constant 0 : i32
      %dma_start3A_633 = tpu.memref_slice %arg4[%select_n3A, %dma_start3A_629, %dma_start3A_630, %dma_start3A_631, %dma_start3A_632] : memref<2x4x4x28x128xf32, #tpu.memory_space<hbm>> -> memref<1x4x4x28x128xf32, #tpu.memory_space<hbm>>
      %dma_start3A_634 = tpu.memref_squeeze %dma_start3A_633 : memref<1x4x4x28x128xf32, #tpu.memory_space<hbm>> -> memref<4x4x28x128xf32, #tpu.memory_space<hbm>>
      %dma_start3A_635 = arith.constant 0 : i32
      %dma_start3A_636 = arith.constant 0 : i32
      %dma_start3A_637 = arith.constant 0 : i32
      %dma_start3A_638 = tpu.memref_slice %dma_start3A_634[%select_n3A_54, %dma_start3A_635, %dma_start3A_636, %dma_start3A_637] : memref<4x4x28x128xf32, #tpu.memory_space<hbm>> -> memref<1x4x28x128xf32, #tpu.memory_space<hbm>>
      %dma_start3A_639 = tpu.memref_squeeze %dma_start3A_638 : memref<1x4x28x128xf32, #tpu.memory_space<hbm>> -> memref<4x28x128xf32, #tpu.memory_space<hbm>>
      %dma_start3A_640 = arith.constant 0 : i32
      %dma_start3A_641 = arith.constant 0 : i32
      %dma_start3A_642 = tpu.memref_slice %dma_start3A_639[%select_n3A_70, %dma_start3A_640, %dma_start3A_641] : memref<4x28x128xf32, #tpu.memory_space<hbm>> -> memref<1x28x128xf32, #tpu.memory_space<hbm>>
      %dma_start3A_643 = tpu.memref_squeeze %dma_start3A_642 : memref<1x28x128xf32, #tpu.memory_space<hbm>> -> memref<28x128xf32, #tpu.memory_space<hbm>>
      %dma_start3A_644 = arith.constant 0 : i32
      %dma_start3A_645 = arith.constant 0 : i32
      %dma_start3A_646 = arith.constant 0 : i32
      %dma_start3A_647 = arith.constant 0 : i32
      %dma_start3A_648 = tpu.memref_slice %arg4[%select_n3A, %dma_start3A_644, %dma_start3A_645, %dma_start3A_646, %dma_start3A_647] : memref<2x4x4x28x128xf32, #tpu.memory_space<hbm>> -> memref<1x4x4x28x128xf32, #tpu.memory_space<hbm>>
      %dma_start3A_649 = tpu.memref_squeeze %dma_start3A_648 : memref<1x4x4x28x128xf32, #tpu.memory_space<hbm>> -> memref<4x4x28x128xf32, #tpu.memory_space<hbm>>
      %dma_start3A_650 = arith.constant 0 : i32
      %dma_start3A_651 = arith.constant 0 : i32
      %dma_start3A_652 = arith.constant 0 : i32
      %dma_start3A_653 = tpu.memref_slice %dma_start3A_649[%select_n3A_54, %dma_start3A_650, %dma_start3A_651, %dma_start3A_652] : memref<4x4x28x128xf32, #tpu.memory_space<hbm>> -> memref<1x4x28x128xf32, #tpu.memory_space<hbm>>
      %dma_start3A_654 = tpu.memref_squeeze %dma_start3A_653 : memref<1x4x28x128xf32, #tpu.memory_space<hbm>> -> memref<4x28x128xf32, #tpu.memory_space<hbm>>
      %dma_start3A_655 = arith.constant 0 : i32
      %dma_start3A_656 = arith.constant 0 : i32
      %dma_start3A_657 = tpu.memref_slice %dma_start3A_654[%select_n3A_70, %dma_start3A_655, %dma_start3A_656] : memref<4x28x128xf32, #tpu.memory_space<hbm>> -> memref<1x28x128xf32, #tpu.memory_space<hbm>>
      %dma_start3A_658 = tpu.memref_squeeze %dma_start3A_657 : memref<1x28x128xf32, #tpu.memory_space<hbm>> -> memref<28x128xf32, #tpu.memory_space<hbm>>
      tpu.enqueue_dma source(%arg6 : memref<28x128xf32, #tpu.memory_space<vmem>>) target(%dma_start3A_658 : memref<28x128xf32, #tpu.memory_space<hbm>>) target_semaphore(%run_scoped3A : memref<!tpu.dma_semaphore, #tpu.memory_space<semaphore_mem>>)
      %dma_wait3A_659 = arith.constant 0 : i32
      %dma_wait3A_660 = arith.constant 0 : i32
      %dma_wait3A_661 = arith.constant 0 : i32
      %dma_wait3A_662 = arith.constant 0 : i32
      %dma_wait3A_663 = tpu.memref_slice %arg4[%select_n3A, %dma_wait3A_659, %dma_wait3A_660, %dma_wait3A_661, %dma_wait3A_662] : memref<2x4x4x28x128xf32, #tpu.memory_space<hbm>> -> memref<1x4x4x28x128xf32, #tpu.memory_space<hbm>>
      %dma_wait3A_664 = tpu.memref_squeeze %dma_wait3A_663 : memref<1x4x4x28x128xf32, #tpu.memory_space<hbm>> -> memref<4x4x28x128xf32, #tpu.memory_space<hbm>>
      %dma_wait3A_665 = arith.constant 0 : i32
      %dma_wait3A_666 = arith.constant 0 : i32
      %dma_wait3A_667 = arith.constant 0 : i32
      %dma_wait3A_668 = tpu.memref_slice %dma_wait3A_664[%select_n3A_54, %dma_wait3A_665, %dma_wait3A_666, %dma_wait3A_667] : memref<4x4x28x128xf32, #tpu.memory_space<hbm>> -> memref<1x4x28x128xf32, #tpu.memory_space<hbm>>
      %dma_wait3A_669 = tpu.memref_squeeze %dma_wait3A_668 : memref<1x4x28x128xf32, #tpu.memory_space<hbm>> -> memref<4x28x128xf32, #tpu.memory_space<hbm>>
      %dma_wait3A_670 = arith.constant 0 : i32
      %dma_wait3A_671 = arith.constant 0 : i32
      %dma_wait3A_672 = tpu.memref_slice %dma_wait3A_669[%select_n3A_70, %dma_wait3A_670, %dma_wait3A_671] : memref<4x28x128xf32, #tpu.memory_space<hbm>> -> memref<1x28x128xf32, #tpu.memory_space<hbm>>
      %dma_wait3A_673 = tpu.memref_squeeze %dma_wait3A_672 : memref<1x28x128xf32, #tpu.memory_space<hbm>> -> memref<28x128xf32, #tpu.memory_space<hbm>>
      %dma_wait3A_674 = arith.constant 0 : i32
      %dma_wait3A_675 = arith.constant 0 : i32
      %dma_wait3A_676 = arith.constant 0 : i32
      %dma_wait3A_677 = arith.constant 0 : i32
      %dma_wait3A_678 = tpu.memref_slice %arg4[%select_n3A, %dma_wait3A_674, %dma_wait3A_675, %dma_wait3A_676, %dma_wait3A_677] : memref<2x4x4x28x128xf32, #tpu.memory_space<hbm>> -> memref<1x4x4x28x128xf32, #tpu.memory_space<hbm>>
      %dma_wait3A_679 = tpu.memref_squeeze %dma_wait3A_678 : memref<1x4x4x28x128xf32, #tpu.memory_space<hbm>> -> memref<4x4x28x128xf32, #tpu.memory_space<hbm>>
      %dma_wait3A_680 = arith.constant 0 : i32
      %dma_wait3A_681 = arith.constant 0 : i32
      %dma_wait3A_682 = arith.constant 0 : i32
      %dma_wait3A_683 = tpu.memref_slice %dma_wait3A_679[%select_n3A_54, %dma_wait3A_680, %dma_wait3A_681, %dma_wait3A_682] : memref<4x4x28x128xf32, #tpu.memory_space<hbm>> -> memref<1x4x28x128xf32, #tpu.memory_space<hbm>>
      %dma_wait3A_684 = tpu.memref_squeeze %dma_wait3A_683 : memref<1x4x28x128xf32, #tpu.memory_space<hbm>> -> memref<4x28x128xf32, #tpu.memory_space<hbm>>
      %dma_wait3A_685 = arith.constant 0 : i32
      %dma_wait3A_686 = arith.constant 0 : i32
      %dma_wait3A_687 = tpu.memref_slice %dma_wait3A_684[%select_n3A_70, %dma_wait3A_685, %dma_wait3A_686] : memref<4x28x128xf32, #tpu.memory_space<hbm>> -> memref<1x28x128xf32, #tpu.memory_space<hbm>>
      %dma_wait3A_688 = tpu.memref_squeeze %dma_wait3A_687 : memref<1x28x128xf32, #tpu.memory_space<hbm>> -> memref<28x128xf32, #tpu.memory_space<hbm>>
      tpu.wait_dma2 semaphore(%run_scoped3A : memref<!tpu.dma_semaphore, #tpu.memory_space<semaphore_mem>>) src(%arg6 : memref<28x128xf32, #tpu.memory_space<vmem>>) dst(%dma_wait3A_688 : memref<28x128xf32, #tpu.memory_space<hbm>>)
      tpu.yield
    }) : () -> ()
    return
  }
}

module attributes {stable_mosaic.version = 14 : i64} {
  func.func @body(%arg0: memref<4x28x128xi32, #tpu.memory_space<vmem>>, %arg1: memref<64xf32, #tpu.memory_space<smem>>, %arg2: memref<64xf32, #tpu.memory_space<smem>>, %arg3: memref<64xf32, #tpu.memory_space<smem>>, %arg4: memref<64xf32, #tpu.memory_space<smem>>, %arg5: memref<4x28x128xf32, #tpu.memory_space<vmem>>) attributes {dimension_semantics = [], scalar_prefetch = 0 : i64, scratch_operands = 0 : i64, tpu.core_type = #tpu.core_type<tc>} {
    %get3A = arith.constant 0 : index
    %get3A_0 = arith.constant 0 : index
    %get3A_1 = arith.constant 0 : index
    %get3A_2 = vector.load %arg0[%get3A, %get3A_0, %get3A_1] : memref<4x28x128xi32, #tpu.memory_space<vmem>>, vector<4x28x128xi32>
    %shift_right_arithmetic3A = arith.constant 12 : i32
    %shift_right_arithmetic3A_3 = vector.broadcast %shift_right_arithmetic3A : i32 to vector<4x28x128xi32>
    %shift_right_arithmetic3A_4 = arith.shrsi %get3A_2, %shift_right_arithmetic3A_3 : vector<4x28x128xi32>
    %convert_element_type3A = arith.sitofp %shift_right_arithmetic3A_4 : vector<4x28x128xi32> to vector<4x28x128xf32>
    %mul3A = arith.constant 1.562500e-02 : f32
    %mul3A_5 = vector.broadcast %mul3A : f32 to vector<4x28x128xf32>
    %mul3A_6 = arith.mulf %convert_element_type3A, %mul3A_5 : vector<4x28x128xf32>
    %shift_right_arithmetic3A_7 = arith.constant 6 : i32
    %shift_right_arithmetic3A_8 = vector.broadcast %shift_right_arithmetic3A_7 : i32 to vector<4x28x128xi32>
    %shift_right_arithmetic3A_9 = arith.shrsi %get3A_2, %shift_right_arithmetic3A_8 : vector<4x28x128xi32>
    %and3A = arith.constant 63 : i32
    %and3A_10 = vector.broadcast %and3A : i32 to vector<4x28x128xi32>
    %and3A_11 = arith.andi %shift_right_arithmetic3A_9, %and3A_10 : vector<4x28x128xi32>
    %convert_element_type3A_12 = arith.sitofp %and3A_11 : vector<4x28x128xi32> to vector<4x28x128xf32>
    %mul3A_13 = arith.constant 1.562500e-02 : f32
    %mul3A_14 = vector.broadcast %mul3A_13 : f32 to vector<4x28x128xf32>
    %mul3A_15 = arith.mulf %convert_element_type3A_12, %mul3A_14 : vector<4x28x128xf32>
    %and3A_16 = arith.constant 63 : i32
    %and3A_17 = vector.broadcast %and3A_16 : i32 to vector<4x28x128xi32>
    %and3A_18 = arith.andi %get3A_2, %and3A_17 : vector<4x28x128xi32>
    %convert_element_type3A_19 = arith.sitofp %and3A_18 : vector<4x28x128xi32> to vector<4x28x128xf32>
    %mul3A_20 = arith.constant 1.562500e-02 : f32
    %mul3A_21 = vector.broadcast %mul3A_20 : f32 to vector<4x28x128xf32>
    %mul3A_22 = arith.mulf %convert_element_type3A_19, %mul3A_21 : vector<4x28x128xf32>
    %broadcast_in_dim3A = arith.constant 0.000000e+00 : f32
    %broadcast_in_dim3A_23 = vector.broadcast %broadcast_in_dim3A : f32 to vector<4x28x128xf32>
    %scan3A = arith.constant 0 : i32
    %scan3A_24 = arith.constant 16 : i32
    %scan3A_25 = arith.addi %scan3A, %scan3A_24 : i32
    %scan3A_26 = arith.constant 1 : i32
    %scan3A_27 = scf.for %scan3A_35 = %scan3A to %scan3A_25 step %scan3A_26 iter_args(%scan3A_36 = %broadcast_in_dim3A_23) -> (vector<4x28x128xf32>)  : i32 {
      %mul3A_37 = arith.constant 4 : i32
      %mul3A_38 = arith.muli %scan3A_35, %mul3A_37 : i32
      %add3A = arith.constant 0 : i32
      %add3A_39 = arith.addi %mul3A_38, %add3A : i32
      %get3A_40 = arith.index_cast %add3A_39 : i32 to index
      %get3A_41 = memref.load %arg2[%get3A_40] : memref<64xf32, #tpu.memory_space<smem>>
      %sub3A = vector.broadcast %get3A_41 : f32 to vector<4x28x128xf32>
      %sub3A_42 = arith.subf %mul3A_6, %sub3A : vector<4x28x128xf32>
      %get3A_43 = arith.index_cast %add3A_39 : i32 to index
      %get3A_44 = memref.load %arg3[%get3A_43] : memref<64xf32, #tpu.memory_space<smem>>
      %sub3A_45 = vector.broadcast %get3A_44 : f32 to vector<4x28x128xf32>
      %sub3A_46 = arith.subf %mul3A_15, %sub3A_45 : vector<4x28x128xf32>
      %get3A_47 = arith.index_cast %add3A_39 : i32 to index
      %get3A_48 = memref.load %arg4[%get3A_47] : memref<64xf32, #tpu.memory_space<smem>>
      %sub3A_49 = vector.broadcast %get3A_48 : f32 to vector<4x28x128xf32>
      %sub3A_50 = arith.subf %mul3A_22, %sub3A_49 : vector<4x28x128xf32>
      %mul3A_51 = arith.mulf %sub3A_42, %sub3A_42 : vector<4x28x128xf32>
      %mul3A_52 = arith.mulf %sub3A_46, %sub3A_46 : vector<4x28x128xf32>
      %add3A_53 = arith.addf %mul3A_51, %mul3A_52 : vector<4x28x128xf32>
      %mul3A_54 = arith.mulf %sub3A_50, %sub3A_50 : vector<4x28x128xf32>
      %add3A_55 = arith.addf %add3A_53, %mul3A_54 : vector<4x28x128xf32>
      %get3A_56 = arith.index_cast %add3A_39 : i32 to index
      %get3A_57 = memref.load %arg1[%get3A_56] : memref<64xf32, #tpu.memory_space<smem>>
      %rsqrt3A = math.rsqrt %add3A_55 : vector<4x28x128xf32>
      %mul3A_58 = vector.broadcast %get3A_57 : f32 to vector<4x28x128xf32>
      %mul3A_59 = arith.mulf %mul3A_58, %rsqrt3A : vector<4x28x128xf32>
      %add3A_60 = arith.addf %scan3A_36, %mul3A_59 : vector<4x28x128xf32>
      %add3A_61 = arith.constant 1 : i32
      %add3A_62 = arith.addi %mul3A_38, %add3A_61 : i32
      %get3A_63 = arith.index_cast %add3A_62 : i32 to index
      %get3A_64 = memref.load %arg2[%get3A_63] : memref<64xf32, #tpu.memory_space<smem>>
      %sub3A_65 = vector.broadcast %get3A_64 : f32 to vector<4x28x128xf32>
      %sub3A_66 = arith.subf %mul3A_6, %sub3A_65 : vector<4x28x128xf32>
      %get3A_67 = arith.index_cast %add3A_62 : i32 to index
      %get3A_68 = memref.load %arg3[%get3A_67] : memref<64xf32, #tpu.memory_space<smem>>
      %sub3A_69 = vector.broadcast %get3A_68 : f32 to vector<4x28x128xf32>
      %sub3A_70 = arith.subf %mul3A_15, %sub3A_69 : vector<4x28x128xf32>
      %get3A_71 = arith.index_cast %add3A_62 : i32 to index
      %get3A_72 = memref.load %arg4[%get3A_71] : memref<64xf32, #tpu.memory_space<smem>>
      %sub3A_73 = vector.broadcast %get3A_72 : f32 to vector<4x28x128xf32>
      %sub3A_74 = arith.subf %mul3A_22, %sub3A_73 : vector<4x28x128xf32>
      %mul3A_75 = arith.mulf %sub3A_66, %sub3A_66 : vector<4x28x128xf32>
      %mul3A_76 = arith.mulf %sub3A_70, %sub3A_70 : vector<4x28x128xf32>
      %add3A_77 = arith.addf %mul3A_75, %mul3A_76 : vector<4x28x128xf32>
      %mul3A_78 = arith.mulf %sub3A_74, %sub3A_74 : vector<4x28x128xf32>
      %add3A_79 = arith.addf %add3A_77, %mul3A_78 : vector<4x28x128xf32>
      %get3A_80 = arith.index_cast %add3A_62 : i32 to index
      %get3A_81 = memref.load %arg1[%get3A_80] : memref<64xf32, #tpu.memory_space<smem>>
      %rsqrt3A_82 = math.rsqrt %add3A_79 : vector<4x28x128xf32>
      %mul3A_83 = vector.broadcast %get3A_81 : f32 to vector<4x28x128xf32>
      %mul3A_84 = arith.mulf %mul3A_83, %rsqrt3A_82 : vector<4x28x128xf32>
      %add3A_85 = arith.addf %add3A_60, %mul3A_84 : vector<4x28x128xf32>
      %add3A_86 = arith.constant 2 : i32
      %add3A_87 = arith.addi %mul3A_38, %add3A_86 : i32
      %get3A_88 = arith.index_cast %add3A_87 : i32 to index
      %get3A_89 = memref.load %arg2[%get3A_88] : memref<64xf32, #tpu.memory_space<smem>>
      %sub3A_90 = vector.broadcast %get3A_89 : f32 to vector<4x28x128xf32>
      %sub3A_91 = arith.subf %mul3A_6, %sub3A_90 : vector<4x28x128xf32>
      %get3A_92 = arith.index_cast %add3A_87 : i32 to index
      %get3A_93 = memref.load %arg3[%get3A_92] : memref<64xf32, #tpu.memory_space<smem>>
      %sub3A_94 = vector.broadcast %get3A_93 : f32 to vector<4x28x128xf32>
      %sub3A_95 = arith.subf %mul3A_15, %sub3A_94 : vector<4x28x128xf32>
      %get3A_96 = arith.index_cast %add3A_87 : i32 to index
      %get3A_97 = memref.load %arg4[%get3A_96] : memref<64xf32, #tpu.memory_space<smem>>
      %sub3A_98 = vector.broadcast %get3A_97 : f32 to vector<4x28x128xf32>
      %sub3A_99 = arith.subf %mul3A_22, %sub3A_98 : vector<4x28x128xf32>
      %mul3A_100 = arith.mulf %sub3A_91, %sub3A_91 : vector<4x28x128xf32>
      %mul3A_101 = arith.mulf %sub3A_95, %sub3A_95 : vector<4x28x128xf32>
      %add3A_102 = arith.addf %mul3A_100, %mul3A_101 : vector<4x28x128xf32>
      %mul3A_103 = arith.mulf %sub3A_99, %sub3A_99 : vector<4x28x128xf32>
      %add3A_104 = arith.addf %add3A_102, %mul3A_103 : vector<4x28x128xf32>
      %get3A_105 = arith.index_cast %add3A_87 : i32 to index
      %get3A_106 = memref.load %arg1[%get3A_105] : memref<64xf32, #tpu.memory_space<smem>>
      %rsqrt3A_107 = math.rsqrt %add3A_104 : vector<4x28x128xf32>
      %mul3A_108 = vector.broadcast %get3A_106 : f32 to vector<4x28x128xf32>
      %mul3A_109 = arith.mulf %mul3A_108, %rsqrt3A_107 : vector<4x28x128xf32>
      %add3A_110 = arith.addf %add3A_85, %mul3A_109 : vector<4x28x128xf32>
      %add3A_111 = arith.constant 3 : i32
      %add3A_112 = arith.addi %mul3A_38, %add3A_111 : i32
      %get3A_113 = arith.index_cast %add3A_112 : i32 to index
      %get3A_114 = memref.load %arg2[%get3A_113] : memref<64xf32, #tpu.memory_space<smem>>
      %sub3A_115 = vector.broadcast %get3A_114 : f32 to vector<4x28x128xf32>
      %sub3A_116 = arith.subf %mul3A_6, %sub3A_115 : vector<4x28x128xf32>
      %get3A_117 = arith.index_cast %add3A_112 : i32 to index
      %get3A_118 = memref.load %arg3[%get3A_117] : memref<64xf32, #tpu.memory_space<smem>>
      %sub3A_119 = vector.broadcast %get3A_118 : f32 to vector<4x28x128xf32>
      %sub3A_120 = arith.subf %mul3A_15, %sub3A_119 : vector<4x28x128xf32>
      %get3A_121 = arith.index_cast %add3A_112 : i32 to index
      %get3A_122 = memref.load %arg4[%get3A_121] : memref<64xf32, #tpu.memory_space<smem>>
      %sub3A_123 = vector.broadcast %get3A_122 : f32 to vector<4x28x128xf32>
      %sub3A_124 = arith.subf %mul3A_22, %sub3A_123 : vector<4x28x128xf32>
      %mul3A_125 = arith.mulf %sub3A_116, %sub3A_116 : vector<4x28x128xf32>
      %mul3A_126 = arith.mulf %sub3A_120, %sub3A_120 : vector<4x28x128xf32>
      %add3A_127 = arith.addf %mul3A_125, %mul3A_126 : vector<4x28x128xf32>
      %mul3A_128 = arith.mulf %sub3A_124, %sub3A_124 : vector<4x28x128xf32>
      %add3A_129 = arith.addf %add3A_127, %mul3A_128 : vector<4x28x128xf32>
      %get3A_130 = arith.index_cast %add3A_112 : i32 to index
      %get3A_131 = memref.load %arg1[%get3A_130] : memref<64xf32, #tpu.memory_space<smem>>
      %rsqrt3A_132 = math.rsqrt %add3A_129 : vector<4x28x128xf32>
      %mul3A_133 = vector.broadcast %get3A_131 : f32 to vector<4x28x128xf32>
      %mul3A_134 = arith.mulf %mul3A_133, %rsqrt3A_132 : vector<4x28x128xf32>
      %add3A_135 = arith.addf %add3A_110, %mul3A_134 : vector<4x28x128xf32>
      scf.yield %add3A_135 : vector<4x28x128xf32>
    }
    %scan3A_28 = arith.constant 16 : i32
    %mul3A_29 = arith.constant 0.0397887342 : f32
    %mul3A_30 = vector.broadcast %mul3A_29 : f32 to vector<4x28x128xf32>
    %mul3A_31 = arith.mulf %scan3A_27, %mul3A_30 : vector<4x28x128xf32>
    %swap3A = arith.constant 0 : index
    %swap3A_32 = arith.constant 0 : index
    %swap3A_33 = arith.constant 0 : index
    %swap3A_34 = vector.load %arg5[%swap3A, %swap3A_32, %swap3A_33] : memref<4x28x128xf32, #tpu.memory_space<vmem>>, vector<4x28x128xf32>
    tpu.vector_store %arg5[%swap3A, %swap3A_32, %swap3A_33], %mul3A_31 {strides = array<i32>} : memref<4x28x128xf32, #tpu.memory_space<vmem>>, vector<4x28x128xf32>,
    return
  }
}

module attributes {stable_mosaic.version = 14 : i64} {
  func.func @body(%arg0: memref<2x4x4x28x128xf32, #tpu.memory_space<vmem>>, %arg1: memref<4x28x128xf32, #tpu.memory_space<vmem>>, %arg2: memref<1x1xf32, #tpu.memory_space<smem>>) attributes {dimension_semantics = [], scalar_prefetch = 0 : i64, scratch_operands = 0 : i64, tpu.core_type = #tpu.core_type<tc>} {
    %iota3A = tpu.iota {dimensions = array<i32: 0>} : vector<28x128xi32>
    %iota3A_0 = tpu.iota {dimensions = array<i32: 1>} : vector<28x128xi32>
    %mul3A = arith.constant 128 : i32
    %mul3A_1 = vector.broadcast %mul3A : i32 to vector<28x128xi32>
    %mul3A_2 = arith.muli %iota3A, %mul3A_1 : vector<28x128xi32>
    %add3A = arith.addi %mul3A_2, %iota3A_0 : vector<28x128xi32>
    %get3A = arith.constant 0 : index
    %get3A_3 = arith.constant 0 : index
    %get3A_4 = arith.constant 0 : index
    %get3A_5 = vector.load %arg1[%get3A, %get3A_3, %get3A_4] : memref<4x28x128xf32, #tpu.memory_space<vmem>>, vector<1x28x128xf32>
    %get3A_6 = vector.shape_cast %get3A_5 : vector<1x28x128xf32> to vector<28x128xf32>
    %add3A_7 = arith.constant 0 : i32
    %add3A_8 = vector.broadcast %add3A_7 : i32 to vector<28x128xi32>
    %add3A_9 = arith.addi %add3A, %add3A_8 : vector<28x128xi32>
    %lt3A = arith.constant 13997 : i32
    %lt3A_10 = vector.broadcast %lt3A : i32 to vector<28x128xi32>
    %lt3A_11 = arith.cmpi slt, %add3A_9, %lt3A_10 : vector<28x128xi32>
    %get3A_12 = arith.constant 0 : index
    %get3A_13 = arith.constant 0 : index
    %get3A_14 = arith.constant 0 : index
    %get3A_15 = arith.constant 0 : index
    %get3A_16 = arith.constant 0 : index
    %get3A_17 = vector.load %arg0[%get3A_12, %get3A_13, %get3A_14, %get3A_15, %get3A_16] : memref<2x4x4x28x128xf32, #tpu.memory_space<vmem>>, vector<1x1x1x28x128xf32>
    %get3A_18 = vector.shape_cast %get3A_17 : vector<1x1x1x28x128xf32> to vector<28x128xf32>
    %add3A_19 = arith.addf %get3A_18, %get3A_6 : vector<28x128xf32>
    %get3A_20 = arith.constant 1 : index
    %get3A_21 = arith.constant 0 : index
    %get3A_22 = arith.constant 0 : index
    %get3A_23 = arith.constant 0 : index
    %get3A_24 = arith.constant 0 : index
    %get3A_25 = vector.load %arg0[%get3A_20, %get3A_21, %get3A_22, %get3A_23, %get3A_24] : memref<2x4x4x28x128xf32, #tpu.memory_space<vmem>>, vector<1x1x1x28x128xf32>
    %get3A_26 = vector.shape_cast %get3A_25 : vector<1x1x1x28x128xf32> to vector<28x128xf32>
    %sub3A = arith.subf %add3A_19, %get3A_26 : vector<28x128xf32>
    %jit3A = arith.constant 0.000000e+00 : f32
    %broadcast_in_dim3A = vector.broadcast %jit3A : f32 to vector<28x128xf32>
    %select_n3A = arith.select %lt3A_11, %sub3A, %broadcast_in_dim3A : vector<28x128xi1>, vector<28x128xf32>
    %mul3A_27 = arith.mulf %select_n3A, %select_n3A : vector<28x128xf32>
    %reduce_sum3A = vector.shape_cast %mul3A_27 : vector<28x128xf32> to vector<1x28x128xf32>
    %reduce_sum3A_28 = arith.constant dense<0.000000e+00> : vector<1xf32>
    %reduce_sum3A_29 = vector.multi_reduction <add>, %reduce_sum3A, %reduce_sum3A_28 [1, 2] : vector<1x28x128xf32> to vector<1xf32>
    %reduce_sum3A_30 = vector.shape_cast %reduce_sum3A_29 : vector<1xf32> to vector<1x1x1xf32>
    %reduce_sum3A_31 = vector.extract %reduce_sum3A_30[0, 0, 0] : f32 from vector<1x1x1xf32>
    %add3A_32 = arith.constant 0.000000e+00 : f32
    %add3A_33 = arith.addf %add3A_32, %reduce_sum3A_31 : f32
    %get3A_34 = arith.constant 0 : index
    %get3A_35 = arith.constant 1 : index
    %get3A_36 = arith.constant 0 : index
    %get3A_37 = arith.constant 0 : index
    %get3A_38 = arith.constant 0 : index
    %get3A_39 = vector.load %arg0[%get3A_34, %get3A_35, %get3A_36, %get3A_37, %get3A_38] : memref<2x4x4x28x128xf32, #tpu.memory_space<vmem>>, vector<1x1x1x28x128xf32>
    %get3A_40 = vector.shape_cast %get3A_39 : vector<1x1x1x28x128xf32> to vector<28x128xf32>
    %add3A_41 = arith.addf %get3A_40, %get3A_6 : vector<28x128xf32>
    %get3A_42 = arith.constant 1 : index
    %get3A_43 = arith.constant 1 : index
    %get3A_44 = arith.constant 0 : index
    %get3A_45 = arith.constant 0 : index
    %get3A_46 = arith.constant 0 : index
    %get3A_47 = vector.load %arg0[%get3A_42, %get3A_43, %get3A_44, %get3A_45, %get3A_46] : memref<2x4x4x28x128xf32, #tpu.memory_space<vmem>>, vector<1x1x1x28x128xf32>
    %get3A_48 = vector.shape_cast %get3A_47 : vector<1x1x1x28x128xf32> to vector<28x128xf32>
    %sub3A_49 = arith.subf %add3A_41, %get3A_48 : vector<28x128xf32>
    %jit3A_50 = arith.constant 0.000000e+00 : f32
    %broadcast_in_dim3A_51 = vector.broadcast %jit3A_50 : f32 to vector<28x128xf32>
    %select_n3A_52 = arith.select %lt3A_11, %sub3A_49, %broadcast_in_dim3A_51 : vector<28x128xi1>, vector<28x128xf32>
    %mul3A_53 = arith.mulf %select_n3A_52, %select_n3A_52 : vector<28x128xf32>
    %reduce_sum3A_54 = vector.shape_cast %mul3A_53 : vector<28x128xf32> to vector<1x28x128xf32>
    %reduce_sum3A_55 = arith.constant dense<0.000000e+00> : vector<1xf32>
    %reduce_sum3A_56 = vector.multi_reduction <add>, %reduce_sum3A_54, %reduce_sum3A_55 [1, 2] : vector<1x28x128xf32> to vector<1xf32>
    %reduce_sum3A_57 = vector.shape_cast %reduce_sum3A_56 : vector<1xf32> to vector<1x1x1xf32>
    %reduce_sum3A_58 = vector.extract %reduce_sum3A_57[0, 0, 0] : f32 from vector<1x1x1xf32>
    %add3A_59 = arith.addf %add3A_33, %reduce_sum3A_58 : f32
    %get3A_60 = arith.constant 0 : index
    %get3A_61 = arith.constant 2 : index
    %get3A_62 = arith.constant 0 : index
    %get3A_63 = arith.constant 0 : index
    %get3A_64 = arith.constant 0 : index
    %get3A_65 = vector.load %arg0[%get3A_60, %get3A_61, %get3A_62, %get3A_63, %get3A_64] : memref<2x4x4x28x128xf32, #tpu.memory_space<vmem>>, vector<1x1x1x28x128xf32>
    %get3A_66 = vector.shape_cast %get3A_65 : vector<1x1x1x28x128xf32> to vector<28x128xf32>
    %add3A_67 = arith.addf %get3A_66, %get3A_6 : vector<28x128xf32>
    %get3A_68 = arith.constant 1 : index
    %get3A_69 = arith.constant 2 : index
    %get3A_70 = arith.constant 0 : index
    %get3A_71 = arith.constant 0 : index
    %get3A_72 = arith.constant 0 : index
    %get3A_73 = vector.load %arg0[%get3A_68, %get3A_69, %get3A_70, %get3A_71, %get3A_72] : memref<2x4x4x28x128xf32, #tpu.memory_space<vmem>>, vector<1x1x1x28x128xf32>
    %get3A_74 = vector.shape_cast %get3A_73 : vector<1x1x1x28x128xf32> to vector<28x128xf32>
    %sub3A_75 = arith.subf %add3A_67, %get3A_74 : vector<28x128xf32>
    %jit3A_76 = arith.constant 0.000000e+00 : f32
    %broadcast_in_dim3A_77 = vector.broadcast %jit3A_76 : f32 to vector<28x128xf32>
    %select_n3A_78 = arith.select %lt3A_11, %sub3A_75, %broadcast_in_dim3A_77 : vector<28x128xi1>, vector<28x128xf32>
    %mul3A_79 = arith.mulf %select_n3A_78, %select_n3A_78 : vector<28x128xf32>
    %reduce_sum3A_80 = vector.shape_cast %mul3A_79 : vector<28x128xf32> to vector<1x28x128xf32>
    %reduce_sum3A_81 = arith.constant dense<0.000000e+00> : vector<1xf32>
    %reduce_sum3A_82 = vector.multi_reduction <add>, %reduce_sum3A_80, %reduce_sum3A_81 [1, 2] : vector<1x28x128xf32> to vector<1xf32>
    %reduce_sum3A_83 = vector.shape_cast %reduce_sum3A_82 : vector<1xf32> to vector<1x1x1xf32>
    %reduce_sum3A_84 = vector.extract %reduce_sum3A_83[0, 0, 0] : f32 from vector<1x1x1xf32>
    %add3A_85 = arith.addf %add3A_59, %reduce_sum3A_84 : f32
    %get3A_86 = arith.constant 0 : index
    %get3A_87 = arith.constant 3 : index
    %get3A_88 = arith.constant 0 : index
    %get3A_89 = arith.constant 0 : index
    %get3A_90 = arith.constant 0 : index
    %get3A_91 = vector.load %arg0[%get3A_86, %get3A_87, %get3A_88, %get3A_89, %get3A_90] : memref<2x4x4x28x128xf32, #tpu.memory_space<vmem>>, vector<1x1x1x28x128xf32>
    %get3A_92 = vector.shape_cast %get3A_91 : vector<1x1x1x28x128xf32> to vector<28x128xf32>
    %add3A_93 = arith.addf %get3A_92, %get3A_6 : vector<28x128xf32>
    %get3A_94 = arith.constant 1 : index
    %get3A_95 = arith.constant 3 : index
    %get3A_96 = arith.constant 0 : index
    %get3A_97 = arith.constant 0 : index
    %get3A_98 = arith.constant 0 : index
    %get3A_99 = vector.load %arg0[%get3A_94, %get3A_95, %get3A_96, %get3A_97, %get3A_98] : memref<2x4x4x28x128xf32, #tpu.memory_space<vmem>>, vector<1x1x1x28x128xf32>
    %get3A_100 = vector.shape_cast %get3A_99 : vector<1x1x1x28x128xf32> to vector<28x128xf32>
    %sub3A_101 = arith.subf %add3A_93, %get3A_100 : vector<28x128xf32>
    %jit3A_102 = arith.constant 0.000000e+00 : f32
    %broadcast_in_dim3A_103 = vector.broadcast %jit3A_102 : f32 to vector<28x128xf32>
    %select_n3A_104 = arith.select %lt3A_11, %sub3A_101, %broadcast_in_dim3A_103 : vector<28x128xi1>, vector<28x128xf32>
    %mul3A_105 = arith.mulf %select_n3A_104, %select_n3A_104 : vector<28x128xf32>
    %reduce_sum3A_106 = vector.shape_cast %mul3A_105 : vector<28x128xf32> to vector<1x28x128xf32>
    %reduce_sum3A_107 = arith.constant dense<0.000000e+00> : vector<1xf32>
    %reduce_sum3A_108 = vector.multi_reduction <add>, %reduce_sum3A_106, %reduce_sum3A_107 [1, 2] : vector<1x28x128xf32> to vector<1xf32>
    %reduce_sum3A_109 = vector.shape_cast %reduce_sum3A_108 : vector<1xf32> to vector<1x1x1xf32>
    %reduce_sum3A_110 = vector.extract %reduce_sum3A_109[0, 0, 0] : f32 from vector<1x1x1xf32>
    %add3A_111 = arith.addf %add3A_85, %reduce_sum3A_110 : f32
    %get3A_112 = arith.constant 1 : index
    %get3A_113 = arith.constant 0 : index
    %get3A_114 = arith.constant 0 : index
    %get3A_115 = vector.load %arg1[%get3A_112, %get3A_113, %get3A_114] : memref<4x28x128xf32, #tpu.memory_space<vmem>>, vector<1x28x128xf32>
    %get3A_116 = vector.shape_cast %get3A_115 : vector<1x28x128xf32> to vector<28x128xf32>
    %add3A_117 = arith.constant 3584 : i32
    %add3A_118 = vector.broadcast %add3A_117 : i32 to vector<28x128xi32>
    %add3A_119 = arith.addi %add3A, %add3A_118 : vector<28x128xi32>
    %lt3A_120 = arith.constant 13997 : i32
    %lt3A_121 = vector.broadcast %lt3A_120 : i32 to vector<28x128xi32>
    %lt3A_122 = arith.cmpi slt, %add3A_119, %lt3A_121 : vector<28x128xi32>
    %get3A_123 = arith.constant 0 : index
    %get3A_124 = arith.constant 0 : index
    %get3A_125 = arith.constant 1 : index
    %get3A_126 = arith.constant 0 : index
    %get3A_127 = arith.constant 0 : index
    %get3A_128 = vector.load %arg0[%get3A_123, %get3A_124, %get3A_125, %get3A_126, %get3A_127] : memref<2x4x4x28x128xf32, #tpu.memory_space<vmem>>, vector<1x1x1x28x128xf32>
    %get3A_129 = vector.shape_cast %get3A_128 : vector<1x1x1x28x128xf32> to vector<28x128xf32>
    %add3A_130 = arith.addf %get3A_129, %get3A_116 : vector<28x128xf32>
    %get3A_131 = arith.constant 1 : index
    %get3A_132 = arith.constant 0 : index
    %get3A_133 = arith.constant 1 : index
    %get3A_134 = arith.constant 0 : index
    %get3A_135 = arith.constant 0 : index
    %get3A_136 = vector.load %arg0[%get3A_131, %get3A_132, %get3A_133, %get3A_134, %get3A_135] : memref<2x4x4x28x128xf32, #tpu.memory_space<vmem>>, vector<1x1x1x28x128xf32>
    %get3A_137 = vector.shape_cast %get3A_136 : vector<1x1x1x28x128xf32> to vector<28x128xf32>
    %sub3A_138 = arith.subf %add3A_130, %get3A_137 : vector<28x128xf32>
    %jit3A_139 = arith.constant 0.000000e+00 : f32
    %broadcast_in_dim3A_140 = vector.broadcast %jit3A_139 : f32 to vector<28x128xf32>
    %select_n3A_141 = arith.select %lt3A_122, %sub3A_138, %broadcast_in_dim3A_140 : vector<28x128xi1>, vector<28x128xf32>
    %mul3A_142 = arith.mulf %select_n3A_141, %select_n3A_141 : vector<28x128xf32>
    %reduce_sum3A_143 = vector.shape_cast %mul3A_142 : vector<28x128xf32> to vector<1x28x128xf32>
    %reduce_sum3A_144 = arith.constant dense<0.000000e+00> : vector<1xf32>
    %reduce_sum3A_145 = vector.multi_reduction <add>, %reduce_sum3A_143, %reduce_sum3A_144 [1, 2] : vector<1x28x128xf32> to vector<1xf32>
    %reduce_sum3A_146 = vector.shape_cast %reduce_sum3A_145 : vector<1xf32> to vector<1x1x1xf32>
    %reduce_sum3A_147 = vector.extract %reduce_sum3A_146[0, 0, 0] : f32 from vector<1x1x1xf32>
    %add3A_148 = arith.addf %add3A_111, %reduce_sum3A_147 : f32
    %get3A_149 = arith.constant 0 : index
    %get3A_150 = arith.constant 1 : index
    %get3A_151 = arith.constant 1 : index
    %get3A_152 = arith.constant 0 : index
    %get3A_153 = arith.constant 0 : index
    %get3A_154 = vector.load %arg0[%get3A_149, %get3A_150, %get3A_151, %get3A_152, %get3A_153] : memref<2x4x4x28x128xf32, #tpu.memory_space<vmem>>, vector<1x1x1x28x128xf32>
    %get3A_155 = vector.shape_cast %get3A_154 : vector<1x1x1x28x128xf32> to vector<28x128xf32>
    %add3A_156 = arith.addf %get3A_155, %get3A_116 : vector<28x128xf32>
    %get3A_157 = arith.constant 1 : index
    %get3A_158 = arith.constant 1 : index
    %get3A_159 = arith.constant 1 : index
    %get3A_160 = arith.constant 0 : index
    %get3A_161 = arith.constant 0 : index
    %get3A_162 = vector.load %arg0[%get3A_157, %get3A_158, %get3A_159, %get3A_160, %get3A_161] : memref<2x4x4x28x128xf32, #tpu.memory_space<vmem>>, vector<1x1x1x28x128xf32>
    %get3A_163 = vector.shape_cast %get3A_162 : vector<1x1x1x28x128xf32> to vector<28x128xf32>
    %sub3A_164 = arith.subf %add3A_156, %get3A_163 : vector<28x128xf32>
    %jit3A_165 = arith.constant 0.000000e+00 : f32
    %broadcast_in_dim3A_166 = vector.broadcast %jit3A_165 : f32 to vector<28x128xf32>
    %select_n3A_167 = arith.select %lt3A_122, %sub3A_164, %broadcast_in_dim3A_166 : vector<28x128xi1>, vector<28x128xf32>
    %mul3A_168 = arith.mulf %select_n3A_167, %select_n3A_167 : vector<28x128xf32>
    %reduce_sum3A_169 = vector.shape_cast %mul3A_168 : vector<28x128xf32> to vector<1x28x128xf32>
    %reduce_sum3A_170 = arith.constant dense<0.000000e+00> : vector<1xf32>
    %reduce_sum3A_171 = vector.multi_reduction <add>, %reduce_sum3A_169, %reduce_sum3A_170 [1, 2] : vector<1x28x128xf32> to vector<1xf32>
    %reduce_sum3A_172 = vector.shape_cast %reduce_sum3A_171 : vector<1xf32> to vector<1x1x1xf32>
    %reduce_sum3A_173 = vector.extract %reduce_sum3A_172[0, 0, 0] : f32 from vector<1x1x1xf32>
    %add3A_174 = arith.addf %add3A_148, %reduce_sum3A_173 : f32
    %get3A_175 = arith.constant 0 : index
    %get3A_176 = arith.constant 2 : index
    %get3A_177 = arith.constant 1 : index
    %get3A_178 = arith.constant 0 : index
    %get3A_179 = arith.constant 0 : index
    %get3A_180 = vector.load %arg0[%get3A_175, %get3A_176, %get3A_177, %get3A_178, %get3A_179] : memref<2x4x4x28x128xf32, #tpu.memory_space<vmem>>, vector<1x1x1x28x128xf32>
    %get3A_181 = vector.shape_cast %get3A_180 : vector<1x1x1x28x128xf32> to vector<28x128xf32>
    %add3A_182 = arith.addf %get3A_181, %get3A_116 : vector<28x128xf32>
    %get3A_183 = arith.constant 1 : index
    %get3A_184 = arith.constant 2 : index
    %get3A_185 = arith.constant 1 : index
    %get3A_186 = arith.constant 0 : index
    %get3A_187 = arith.constant 0 : index
    %get3A_188 = vector.load %arg0[%get3A_183, %get3A_184, %get3A_185, %get3A_186, %get3A_187] : memref<2x4x4x28x128xf32, #tpu.memory_space<vmem>>, vector<1x1x1x28x128xf32>
    %get3A_189 = vector.shape_cast %get3A_188 : vector<1x1x1x28x128xf32> to vector<28x128xf32>
    %sub3A_190 = arith.subf %add3A_182, %get3A_189 : vector<28x128xf32>
    %jit3A_191 = arith.constant 0.000000e+00 : f32
    %broadcast_in_dim3A_192 = vector.broadcast %jit3A_191 : f32 to vector<28x128xf32>
    %select_n3A_193 = arith.select %lt3A_122, %sub3A_190, %broadcast_in_dim3A_192 : vector<28x128xi1>, vector<28x128xf32>
    %mul3A_194 = arith.mulf %select_n3A_193, %select_n3A_193 : vector<28x128xf32>
    %reduce_sum3A_195 = vector.shape_cast %mul3A_194 : vector<28x128xf32> to vector<1x28x128xf32>
    %reduce_sum3A_196 = arith.constant dense<0.000000e+00> : vector<1xf32>
    %reduce_sum3A_197 = vector.multi_reduction <add>, %reduce_sum3A_195, %reduce_sum3A_196 [1, 2] : vector<1x28x128xf32> to vector<1xf32>
    %reduce_sum3A_198 = vector.shape_cast %reduce_sum3A_197 : vector<1xf32> to vector<1x1x1xf32>
    %reduce_sum3A_199 = vector.extract %reduce_sum3A_198[0, 0, 0] : f32 from vector<1x1x1xf32>
    %add3A_200 = arith.addf %add3A_174, %reduce_sum3A_199 : f32
    %get3A_201 = arith.constant 0 : index
    %get3A_202 = arith.constant 3 : index
    %get3A_203 = arith.constant 1 : index
    %get3A_204 = arith.constant 0 : index
    %get3A_205 = arith.constant 0 : index
    %get3A_206 = vector.load %arg0[%get3A_201, %get3A_202, %get3A_203, %get3A_204, %get3A_205] : memref<2x4x4x28x128xf32, #tpu.memory_space<vmem>>, vector<1x1x1x28x128xf32>
    %get3A_207 = vector.shape_cast %get3A_206 : vector<1x1x1x28x128xf32> to vector<28x128xf32>
    %add3A_208 = arith.addf %get3A_207, %get3A_116 : vector<28x128xf32>
    %get3A_209 = arith.constant 1 : index
    %get3A_210 = arith.constant 3 : index
    %get3A_211 = arith.constant 1 : index
    %get3A_212 = arith.constant 0 : index
    %get3A_213 = arith.constant 0 : index
    %get3A_214 = vector.load %arg0[%get3A_209, %get3A_210, %get3A_211, %get3A_212, %get3A_213] : memref<2x4x4x28x128xf32, #tpu.memory_space<vmem>>, vector<1x1x1x28x128xf32>
    %get3A_215 = vector.shape_cast %get3A_214 : vector<1x1x1x28x128xf32> to vector<28x128xf32>
    %sub3A_216 = arith.subf %add3A_208, %get3A_215 : vector<28x128xf32>
    %jit3A_217 = arith.constant 0.000000e+00 : f32
    %broadcast_in_dim3A_218 = vector.broadcast %jit3A_217 : f32 to vector<28x128xf32>
    %select_n3A_219 = arith.select %lt3A_122, %sub3A_216, %broadcast_in_dim3A_218 : vector<28x128xi1>, vector<28x128xf32>
    %mul3A_220 = arith.mulf %select_n3A_219, %select_n3A_219 : vector<28x128xf32>
    %reduce_sum3A_221 = vector.shape_cast %mul3A_220 : vector<28x128xf32> to vector<1x28x128xf32>
    %reduce_sum3A_222 = arith.constant dense<0.000000e+00> : vector<1xf32>
    %reduce_sum3A_223 = vector.multi_reduction <add>, %reduce_sum3A_221, %reduce_sum3A_222 [1, 2] : vector<1x28x128xf32> to vector<1xf32>
    %reduce_sum3A_224 = vector.shape_cast %reduce_sum3A_223 : vector<1xf32> to vector<1x1x1xf32>
    %reduce_sum3A_225 = vector.extract %reduce_sum3A_224[0, 0, 0] : f32 from vector<1x1x1xf32>
    %add3A_226 = arith.addf %add3A_200, %reduce_sum3A_225 : f32
    %get3A_227 = arith.constant 2 : index
    %get3A_228 = arith.constant 0 : index
    %get3A_229 = arith.constant 0 : index
    %get3A_230 = vector.load %arg1[%get3A_227, %get3A_228, %get3A_229] : memref<4x28x128xf32, #tpu.memory_space<vmem>>, vector<1x28x128xf32>
    %get3A_231 = vector.shape_cast %get3A_230 : vector<1x28x128xf32> to vector<28x128xf32>
    %add3A_232 = arith.constant 7168 : i32
    %add3A_233 = vector.broadcast %add3A_232 : i32 to vector<28x128xi32>
    %add3A_234 = arith.addi %add3A, %add3A_233 : vector<28x128xi32>
    %lt3A_235 = arith.constant 13997 : i32
    %lt3A_236 = vector.broadcast %lt3A_235 : i32 to vector<28x128xi32>
    %lt3A_237 = arith.cmpi slt, %add3A_234, %lt3A_236 : vector<28x128xi32>
    %get3A_238 = arith.constant 0 : index
    %get3A_239 = arith.constant 0 : index
    %get3A_240 = arith.constant 2 : index
    %get3A_241 = arith.constant 0 : index
    %get3A_242 = arith.constant 0 : index
    %get3A_243 = vector.load %arg0[%get3A_238, %get3A_239, %get3A_240, %get3A_241, %get3A_242] : memref<2x4x4x28x128xf32, #tpu.memory_space<vmem>>, vector<1x1x1x28x128xf32>
    %get3A_244 = vector.shape_cast %get3A_243 : vector<1x1x1x28x128xf32> to vector<28x128xf32>
    %add3A_245 = arith.addf %get3A_244, %get3A_231 : vector<28x128xf32>
    %get3A_246 = arith.constant 1 : index
    %get3A_247 = arith.constant 0 : index
    %get3A_248 = arith.constant 2 : index
    %get3A_249 = arith.constant 0 : index
    %get3A_250 = arith.constant 0 : index
    %get3A_251 = vector.load %arg0[%get3A_246, %get3A_247, %get3A_248, %get3A_249, %get3A_250] : memref<2x4x4x28x128xf32, #tpu.memory_space<vmem>>, vector<1x1x1x28x128xf32>
    %get3A_252 = vector.shape_cast %get3A_251 : vector<1x1x1x28x128xf32> to vector<28x128xf32>
    %sub3A_253 = arith.subf %add3A_245, %get3A_252 : vector<28x128xf32>
    %jit3A_254 = arith.constant 0.000000e+00 : f32
    %broadcast_in_dim3A_255 = vector.broadcast %jit3A_254 : f32 to vector<28x128xf32>
    %select_n3A_256 = arith.select %lt3A_237, %sub3A_253, %broadcast_in_dim3A_255 : vector<28x128xi1>, vector<28x128xf32>
    %mul3A_257 = arith.mulf %select_n3A_256, %select_n3A_256 : vector<28x128xf32>
    %reduce_sum3A_258 = vector.shape_cast %mul3A_257 : vector<28x128xf32> to vector<1x28x128xf32>
    %reduce_sum3A_259 = arith.constant dense<0.000000e+00> : vector<1xf32>
    %reduce_sum3A_260 = vector.multi_reduction <add>, %reduce_sum3A_258, %reduce_sum3A_259 [1, 2] : vector<1x28x128xf32> to vector<1xf32>
    %reduce_sum3A_261 = vector.shape_cast %reduce_sum3A_260 : vector<1xf32> to vector<1x1x1xf32>
    %reduce_sum3A_262 = vector.extract %reduce_sum3A_261[0, 0, 0] : f32 from vector<1x1x1xf32>
    %add3A_263 = arith.addf %add3A_226, %reduce_sum3A_262 : f32
    %get3A_264 = arith.constant 0 : index
    %get3A_265 = arith.constant 1 : index
    %get3A_266 = arith.constant 2 : index
    %get3A_267 = arith.constant 0 : index
    %get3A_268 = arith.constant 0 : index
    %get3A_269 = vector.load %arg0[%get3A_264, %get3A_265, %get3A_266, %get3A_267, %get3A_268] : memref<2x4x4x28x128xf32, #tpu.memory_space<vmem>>, vector<1x1x1x28x128xf32>
    %get3A_270 = vector.shape_cast %get3A_269 : vector<1x1x1x28x128xf32> to vector<28x128xf32>
    %add3A_271 = arith.addf %get3A_270, %get3A_231 : vector<28x128xf32>
    %get3A_272 = arith.constant 1 : index
    %get3A_273 = arith.constant 1 : index
    %get3A_274 = arith.constant 2 : index
    %get3A_275 = arith.constant 0 : index
    %get3A_276 = arith.constant 0 : index
    %get3A_277 = vector.load %arg0[%get3A_272, %get3A_273, %get3A_274, %get3A_275, %get3A_276] : memref<2x4x4x28x128xf32, #tpu.memory_space<vmem>>, vector<1x1x1x28x128xf32>
    %get3A_278 = vector.shape_cast %get3A_277 : vector<1x1x1x28x128xf32> to vector<28x128xf32>
    %sub3A_279 = arith.subf %add3A_271, %get3A_278 : vector<28x128xf32>
    %jit3A_280 = arith.constant 0.000000e+00 : f32
    %broadcast_in_dim3A_281 = vector.broadcast %jit3A_280 : f32 to vector<28x128xf32>
    %select_n3A_282 = arith.select %lt3A_237, %sub3A_279, %broadcast_in_dim3A_281 : vector<28x128xi1>, vector<28x128xf32>
    %mul3A_283 = arith.mulf %select_n3A_282, %select_n3A_282 : vector<28x128xf32>
    %reduce_sum3A_284 = vector.shape_cast %mul3A_283 : vector<28x128xf32> to vector<1x28x128xf32>
    %reduce_sum3A_285 = arith.constant dense<0.000000e+00> : vector<1xf32>
    %reduce_sum3A_286 = vector.multi_reduction <add>, %reduce_sum3A_284, %reduce_sum3A_285 [1, 2] : vector<1x28x128xf32> to vector<1xf32>
    %reduce_sum3A_287 = vector.shape_cast %reduce_sum3A_286 : vector<1xf32> to vector<1x1x1xf32>
    %reduce_sum3A_288 = vector.extract %reduce_sum3A_287[0, 0, 0] : f32 from vector<1x1x1xf32>
    %add3A_289 = arith.addf %add3A_263, %reduce_sum3A_288 : f32
    %get3A_290 = arith.constant 0 : index
    %get3A_291 = arith.constant 2 : index
    %get3A_292 = arith.constant 2 : index
    %get3A_293 = arith.constant 0 : index
    %get3A_294 = arith.constant 0 : index
    %get3A_295 = vector.load %arg0[%get3A_290, %get3A_291, %get3A_292, %get3A_293, %get3A_294] : memref<2x4x4x28x128xf32, #tpu.memory_space<vmem>>, vector<1x1x1x28x128xf32>
    %get3A_296 = vector.shape_cast %get3A_295 : vector<1x1x1x28x128xf32> to vector<28x128xf32>
    %add3A_297 = arith.addf %get3A_296, %get3A_231 : vector<28x128xf32>
    %get3A_298 = arith.constant 1 : index
    %get3A_299 = arith.constant 2 : index
    %get3A_300 = arith.constant 2 : index
    %get3A_301 = arith.constant 0 : index
    %get3A_302 = arith.constant 0 : index
    %get3A_303 = vector.load %arg0[%get3A_298, %get3A_299, %get3A_300, %get3A_301, %get3A_302] : memref<2x4x4x28x128xf32, #tpu.memory_space<vmem>>, vector<1x1x1x28x128xf32>
    %get3A_304 = vector.shape_cast %get3A_303 : vector<1x1x1x28x128xf32> to vector<28x128xf32>
    %sub3A_305 = arith.subf %add3A_297, %get3A_304 : vector<28x128xf32>
    %jit3A_306 = arith.constant 0.000000e+00 : f32
    %broadcast_in_dim3A_307 = vector.broadcast %jit3A_306 : f32 to vector<28x128xf32>
    %select_n3A_308 = arith.select %lt3A_237, %sub3A_305, %broadcast_in_dim3A_307 : vector<28x128xi1>, vector<28x128xf32>
    %mul3A_309 = arith.mulf %select_n3A_308, %select_n3A_308 : vector<28x128xf32>
    %reduce_sum3A_310 = vector.shape_cast %mul3A_309 : vector<28x128xf32> to vector<1x28x128xf32>
    %reduce_sum3A_311 = arith.constant dense<0.000000e+00> : vector<1xf32>
    %reduce_sum3A_312 = vector.multi_reduction <add>, %reduce_sum3A_310, %reduce_sum3A_311 [1, 2] : vector<1x28x128xf32> to vector<1xf32>
    %reduce_sum3A_313 = vector.shape_cast %reduce_sum3A_312 : vector<1xf32> to vector<1x1x1xf32>
    %reduce_sum3A_314 = vector.extract %reduce_sum3A_313[0, 0, 0] : f32 from vector<1x1x1xf32>
    %add3A_315 = arith.addf %add3A_289, %reduce_sum3A_314 : f32
    %get3A_316 = arith.constant 0 : index
    %get3A_317 = arith.constant 3 : index
    %get3A_318 = arith.constant 2 : index
    %get3A_319 = arith.constant 0 : index
    %get3A_320 = arith.constant 0 : index
    %get3A_321 = vector.load %arg0[%get3A_316, %get3A_317, %get3A_318, %get3A_319, %get3A_320] : memref<2x4x4x28x128xf32, #tpu.memory_space<vmem>>, vector<1x1x1x28x128xf32>
    %get3A_322 = vector.shape_cast %get3A_321 : vector<1x1x1x28x128xf32> to vector<28x128xf32>
    %add3A_323 = arith.addf %get3A_322, %get3A_231 : vector<28x128xf32>
    %get3A_324 = arith.constant 1 : index
    %get3A_325 = arith.constant 3 : index
    %get3A_326 = arith.constant 2 : index
    %get3A_327 = arith.constant 0 : index
    %get3A_328 = arith.constant 0 : index
    %get3A_329 = vector.load %arg0[%get3A_324, %get3A_325, %get3A_326, %get3A_327, %get3A_328] : memref<2x4x4x28x128xf32, #tpu.memory_space<vmem>>, vector<1x1x1x28x128xf32>
    %get3A_330 = vector.shape_cast %get3A_329 : vector<1x1x1x28x128xf32> to vector<28x128xf32>
    %sub3A_331 = arith.subf %add3A_323, %get3A_330 : vector<28x128xf32>
    %jit3A_332 = arith.constant 0.000000e+00 : f32
    %broadcast_in_dim3A_333 = vector.broadcast %jit3A_332 : f32 to vector<28x128xf32>
    %select_n3A_334 = arith.select %lt3A_237, %sub3A_331, %broadcast_in_dim3A_333 : vector<28x128xi1>, vector<28x128xf32>
    %mul3A_335 = arith.mulf %select_n3A_334, %select_n3A_334 : vector<28x128xf32>
    %reduce_sum3A_336 = vector.shape_cast %mul3A_335 : vector<28x128xf32> to vector<1x28x128xf32>
    %reduce_sum3A_337 = arith.constant dense<0.000000e+00> : vector<1xf32>
    %reduce_sum3A_338 = vector.multi_reduction <add>, %reduce_sum3A_336, %reduce_sum3A_337 [1, 2] : vector<1x28x128xf32> to vector<1xf32>
    %reduce_sum3A_339 = vector.shape_cast %reduce_sum3A_338 : vector<1xf32> to vector<1x1x1xf32>
    %reduce_sum3A_340 = vector.extract %reduce_sum3A_339[0, 0, 0] : f32 from vector<1x1x1xf32>
    %add3A_341 = arith.addf %add3A_315, %reduce_sum3A_340 : f32
    %get3A_342 = arith.constant 3 : index
    %get3A_343 = arith.constant 0 : index
    %get3A_344 = arith.constant 0 : index
    %get3A_345 = vector.load %arg1[%get3A_342, %get3A_343, %get3A_344] : memref<4x28x128xf32, #tpu.memory_space<vmem>>, vector<1x28x128xf32>
    %get3A_346 = vector.shape_cast %get3A_345 : vector<1x28x128xf32> to vector<28x128xf32>
    %add3A_347 = arith.constant 10752 : i32
    %add3A_348 = vector.broadcast %add3A_347 : i32 to vector<28x128xi32>
    %add3A_349 = arith.addi %add3A, %add3A_348 : vector<28x128xi32>
    %lt3A_350 = arith.constant 13997 : i32
    %lt3A_351 = vector.broadcast %lt3A_350 : i32 to vector<28x128xi32>
    %lt3A_352 = arith.cmpi slt, %add3A_349, %lt3A_351 : vector<28x128xi32>
    %get3A_353 = arith.constant 0 : index
    %get3A_354 = arith.constant 0 : index
    %get3A_355 = arith.constant 3 : index
    %get3A_356 = arith.constant 0 : index
    %get3A_357 = arith.constant 0 : index
    %get3A_358 = vector.load %arg0[%get3A_353, %get3A_354, %get3A_355, %get3A_356, %get3A_357] : memref<2x4x4x28x128xf32, #tpu.memory_space<vmem>>, vector<1x1x1x28x128xf32>
    %get3A_359 = vector.shape_cast %get3A_358 : vector<1x1x1x28x128xf32> to vector<28x128xf32>
    %add3A_360 = arith.addf %get3A_359, %get3A_346 : vector<28x128xf32>
    %get3A_361 = arith.constant 1 : index
    %get3A_362 = arith.constant 0 : index
    %get3A_363 = arith.constant 3 : index
    %get3A_364 = arith.constant 0 : index
    %get3A_365 = arith.constant 0 : index
    %get3A_366 = vector.load %arg0[%get3A_361, %get3A_362, %get3A_363, %get3A_364, %get3A_365] : memref<2x4x4x28x128xf32, #tpu.memory_space<vmem>>, vector<1x1x1x28x128xf32>
    %get3A_367 = vector.shape_cast %get3A_366 : vector<1x1x1x28x128xf32> to vector<28x128xf32>
    %sub3A_368 = arith.subf %add3A_360, %get3A_367 : vector<28x128xf32>
    %jit3A_369 = arith.constant 0.000000e+00 : f32
    %broadcast_in_dim3A_370 = vector.broadcast %jit3A_369 : f32 to vector<28x128xf32>
    %select_n3A_371 = arith.select %lt3A_352, %sub3A_368, %broadcast_in_dim3A_370 : vector<28x128xi1>, vector<28x128xf32>
    %mul3A_372 = arith.mulf %select_n3A_371, %select_n3A_371 : vector<28x128xf32>
    %reduce_sum3A_373 = vector.shape_cast %mul3A_372 : vector<28x128xf32> to vector<1x28x128xf32>
    %reduce_sum3A_374 = arith.constant dense<0.000000e+00> : vector<1xf32>
    %reduce_sum3A_375 = vector.multi_reduction <add>, %reduce_sum3A_373, %reduce_sum3A_374 [1, 2] : vector<1x28x128xf32> to vector<1xf32>
    %reduce_sum3A_376 = vector.shape_cast %reduce_sum3A_375 : vector<1xf32> to vector<1x1x1xf32>
    %reduce_sum3A_377 = vector.extract %reduce_sum3A_376[0, 0, 0] : f32 from vector<1x1x1xf32>
    %add3A_378 = arith.addf %add3A_341, %reduce_sum3A_377 : f32
    %get3A_379 = arith.constant 0 : index
    %get3A_380 = arith.constant 1 : index
    %get3A_381 = arith.constant 3 : index
    %get3A_382 = arith.constant 0 : index
    %get3A_383 = arith.constant 0 : index
    %get3A_384 = vector.load %arg0[%get3A_379, %get3A_380, %get3A_381, %get3A_382, %get3A_383] : memref<2x4x4x28x128xf32, #tpu.memory_space<vmem>>, vector<1x1x1x28x128xf32>
    %get3A_385 = vector.shape_cast %get3A_384 : vector<1x1x1x28x128xf32> to vector<28x128xf32>
    %add3A_386 = arith.addf %get3A_385, %get3A_346 : vector<28x128xf32>
    %get3A_387 = arith.constant 1 : index
    %get3A_388 = arith.constant 1 : index
    %get3A_389 = arith.constant 3 : index
    %get3A_390 = arith.constant 0 : index
    %get3A_391 = arith.constant 0 : index
    %get3A_392 = vector.load %arg0[%get3A_387, %get3A_388, %get3A_389, %get3A_390, %get3A_391] : memref<2x4x4x28x128xf32, #tpu.memory_space<vmem>>, vector<1x1x1x28x128xf32>
    %get3A_393 = vector.shape_cast %get3A_392 : vector<1x1x1x28x128xf32> to vector<28x128xf32>
    %sub3A_394 = arith.subf %add3A_386, %get3A_393 : vector<28x128xf32>
    %jit3A_395 = arith.constant 0.000000e+00 : f32
    %broadcast_in_dim3A_396 = vector.broadcast %jit3A_395 : f32 to vector<28x128xf32>
    %select_n3A_397 = arith.select %lt3A_352, %sub3A_394, %broadcast_in_dim3A_396 : vector<28x128xi1>, vector<28x128xf32>
    %mul3A_398 = arith.mulf %select_n3A_397, %select_n3A_397 : vector<28x128xf32>
    %reduce_sum3A_399 = vector.shape_cast %mul3A_398 : vector<28x128xf32> to vector<1x28x128xf32>
    %reduce_sum3A_400 = arith.constant dense<0.000000e+00> : vector<1xf32>
    %reduce_sum3A_401 = vector.multi_reduction <add>, %reduce_sum3A_399, %reduce_sum3A_400 [1, 2] : vector<1x28x128xf32> to vector<1xf32>
    %reduce_sum3A_402 = vector.shape_cast %reduce_sum3A_401 : vector<1xf32> to vector<1x1x1xf32>
    %reduce_sum3A_403 = vector.extract %reduce_sum3A_402[0, 0, 0] : f32 from vector<1x1x1xf32>
    %add3A_404 = arith.addf %add3A_378, %reduce_sum3A_403 : f32
    %get3A_405 = arith.constant 0 : index
    %get3A_406 = arith.constant 2 : index
    %get3A_407 = arith.constant 3 : index
    %get3A_408 = arith.constant 0 : index
    %get3A_409 = arith.constant 0 : index
    %get3A_410 = vector.load %arg0[%get3A_405, %get3A_406, %get3A_407, %get3A_408, %get3A_409] : memref<2x4x4x28x128xf32, #tpu.memory_space<vmem>>, vector<1x1x1x28x128xf32>
    %get3A_411 = vector.shape_cast %get3A_410 : vector<1x1x1x28x128xf32> to vector<28x128xf32>
    %add3A_412 = arith.addf %get3A_411, %get3A_346 : vector<28x128xf32>
    %get3A_413 = arith.constant 1 : index
    %get3A_414 = arith.constant 2 : index
    %get3A_415 = arith.constant 3 : index
    %get3A_416 = arith.constant 0 : index
    %get3A_417 = arith.constant 0 : index
    %get3A_418 = vector.load %arg0[%get3A_413, %get3A_414, %get3A_415, %get3A_416, %get3A_417] : memref<2x4x4x28x128xf32, #tpu.memory_space<vmem>>, vector<1x1x1x28x128xf32>
    %get3A_419 = vector.shape_cast %get3A_418 : vector<1x1x1x28x128xf32> to vector<28x128xf32>
    %sub3A_420 = arith.subf %add3A_412, %get3A_419 : vector<28x128xf32>
    %jit3A_421 = arith.constant 0.000000e+00 : f32
    %broadcast_in_dim3A_422 = vector.broadcast %jit3A_421 : f32 to vector<28x128xf32>
    %select_n3A_423 = arith.select %lt3A_352, %sub3A_420, %broadcast_in_dim3A_422 : vector<28x128xi1>, vector<28x128xf32>
    %mul3A_424 = arith.mulf %select_n3A_423, %select_n3A_423 : vector<28x128xf32>
    %reduce_sum3A_425 = vector.shape_cast %mul3A_424 : vector<28x128xf32> to vector<1x28x128xf32>
    %reduce_sum3A_426 = arith.constant dense<0.000000e+00> : vector<1xf32>
    %reduce_sum3A_427 = vector.multi_reduction <add>, %reduce_sum3A_425, %reduce_sum3A_426 [1, 2] : vector<1x28x128xf32> to vector<1xf32>
    %reduce_sum3A_428 = vector.shape_cast %reduce_sum3A_427 : vector<1xf32> to vector<1x1x1xf32>
    %reduce_sum3A_429 = vector.extract %reduce_sum3A_428[0, 0, 0] : f32 from vector<1x1x1xf32>
    %add3A_430 = arith.addf %add3A_404, %reduce_sum3A_429 : f32
    %get3A_431 = arith.constant 0 : index
    %get3A_432 = arith.constant 3 : index
    %get3A_433 = arith.constant 3 : index
    %get3A_434 = arith.constant 0 : index
    %get3A_435 = arith.constant 0 : index
    %get3A_436 = vector.load %arg0[%get3A_431, %get3A_432, %get3A_433, %get3A_434, %get3A_435] : memref<2x4x4x28x128xf32, #tpu.memory_space<vmem>>, vector<1x1x1x28x128xf32>
    %get3A_437 = vector.shape_cast %get3A_436 : vector<1x1x1x28x128xf32> to vector<28x128xf32>
    %add3A_438 = arith.addf %get3A_437, %get3A_346 : vector<28x128xf32>
    %get3A_439 = arith.constant 1 : index
    %get3A_440 = arith.constant 3 : index
    %get3A_441 = arith.constant 3 : index
    %get3A_442 = arith.constant 0 : index
    %get3A_443 = arith.constant 0 : index
    %get3A_444 = vector.load %arg0[%get3A_439, %get3A_440, %get3A_441, %get3A_442, %get3A_443] : memref<2x4x4x28x128xf32, #tpu.memory_space<vmem>>, vector<1x1x1x28x128xf32>
    %get3A_445 = vector.shape_cast %get3A_444 : vector<1x1x1x28x128xf32> to vector<28x128xf32>
    %sub3A_446 = arith.subf %add3A_438, %get3A_445 : vector<28x128xf32>
    %jit3A_447 = arith.constant 0.000000e+00 : f32
    %broadcast_in_dim3A_448 = vector.broadcast %jit3A_447 : f32 to vector<28x128xf32>
    %select_n3A_449 = arith.select %lt3A_352, %sub3A_446, %broadcast_in_dim3A_448 : vector<28x128xi1>, vector<28x128xf32>
    %mul3A_450 = arith.mulf %select_n3A_449, %select_n3A_449 : vector<28x128xf32>
    %reduce_sum3A_451 = vector.shape_cast %mul3A_450 : vector<28x128xf32> to vector<1x28x128xf32>
    %reduce_sum3A_452 = arith.constant dense<0.000000e+00> : vector<1xf32>
    %reduce_sum3A_453 = vector.multi_reduction <add>, %reduce_sum3A_451, %reduce_sum3A_452 [1, 2] : vector<1x28x128xf32> to vector<1xf32>
    %reduce_sum3A_454 = vector.shape_cast %reduce_sum3A_453 : vector<1xf32> to vector<1x1x1xf32>
    %reduce_sum3A_455 = vector.extract %reduce_sum3A_454[0, 0, 0] : f32 from vector<1x1x1xf32>
    %add3A_456 = arith.addf %add3A_430, %reduce_sum3A_455 : f32
    %mul3A_457 = arith.constant 1.78609698E-4 : f32
    %mul3A_458 = arith.mulf %add3A_456, %mul3A_457 : f32
    %swap3A = arith.constant 0 : index
    %swap3A_459 = arith.constant 0 : index
    %swap3A_460 = memref.load %arg2[%swap3A, %swap3A_459] : memref<1x1xf32, #tpu.memory_space<smem>>
    memref.store %mul3A_458, %arg2[%swap3A, %swap3A_459] : memref<1x1xf32, #tpu.memory_space<smem>>
    return
  }
}

</mosaic_0001>

<sc_bundles>
// kernel: kernel.5.cloned.1.call-start
scs
__scs_entry_jumppad:
0x0: {  	(pc) =	sbr.rel $0x88, $3  }
0x1: {  	(tag) =	ssettag $0x0;
	lr =	simm.s32 $0x1  }
0x2: {  	[smem:$0x3F9C] =	sst lr;
	_ =	strace $0xD0000000  }
0x3: {  	_ = 	snop  }
0x4: {  	_ = 	snop  }
0x5: {  	_ = 	snop  }
0x6: {  	_ = 	snop  }
0x7: {  	_ = 	snop  }
__scs_overlays_trampoline_lowered:
0x8: {  	[smem:$0x3FAB] =	sst s0  }
0x9: {  	[smem:$0x3FAC] =	sst s1  }
0xa: {  	[smem:$0x3FAD] =	sst s2  }
0xb: {  	[smem:$0x3FAE] =	sst s3  }
0xc: {  	[smem:$0x3FAF] =	sst s4  }
0xd: {  	[smem:$0x3FB0] =	sst s5  }
0xe: {  	[smem:$0x3FB1] =	sst s6  }
0xf: {  	[smem:$0x3FB2] =	sst s7  }
0x10: {  	[smem:$0x3FB3] =	sst s8  }
0x11: {  	[smem:$0x3FB4] =	sst s9;
	s0 =	simm.s32 @!p0 $0x0  }
0x12: {  	s1 =	sld [smem:$0x3F9A];
	s0 =	simm.s32 @p0 $0x1  }
0x13: {  	[smem:$0x3FB5] =	sst s0;
	s0 =	simm.s32 @!p1 $0x0  }
0x14: {  	s2 =	sld [smem:$0x3F99];
	s0 =	simm.s32 @p1 $0x1  }
0x15: {  	[smem:$0x3FB6] =	sst s0;
	s0 =	simm.s32 @!p2 $0x0  }
0x16: {  	s3 =	sld [smem:$0x3FDB];
	s0 =	simm.s32 @p2 $0x1  }
0x17: {  	s4 =	simm.s32 $0x1BF5;
	[smem:$0x3FB8] =	sst s0  }
0x18: {  	s0 =	sld [smem:$0x3F9B];
	_ =	swait.ge [sflag:s4], $0x0  }
0x19: {  	s7 =	sld [smem:$0x3F9C]  }
0x1a: {  	s8 =	sadd.s32 $0xFFFFE003, lr  }
0x1b: {  	s9 =	sadd.s32 $0xFFFFFEF7, lr;
	s5 =	simm.s32 $0xFFFFFFFF;
	p2 =	slt.u32 s8, $0xFFFFF086  }
0x1c: {  	p1 =	slt.u32 s9, $0xF7A;
	s5 =	simm.s32 @!p2 $0x0  }
0x1d: {  	s5 =	simm.s32 @p1 $0x1;
	p0 =	seq.s32 s7, s2  }
0x1e: {  	s7 =	smul.u32 @!p0 $0xF7A, s2;
	p2 =	seq.s32 @!p0 s5, $0x0  }
0x1f: {  	s9 =	smul.u32 $0xF7A, s1;
	s8 =	simm.s32 @!p0 $0x1BF5;
	p2 =	por !p2, p0  }
0x20: {  	[sflag:s8] =	ssyncset.s32 @!p0 $0xFFFFF086;
	s6 =	sadd.s32 @!p0 s3, s7;
	s7 =	simm.s32 @!p0 $0x108  }
0x21: {  	s3 =	sadd.s32 s3, s9;
	s6 =	sadd.s32 @!p0 $0x88, s6;
	s7 =	simm.s32 @p2 $0x1082  }
0x22: {  	[simem:s7], [sflag:s8] =	dma.local @!p0 [hbm:s6], $0xF7A  }
0x23: {  	s9 =	sor.u32 $0xD0000000, s2;
	s6 =	simm.s32 $0x108;
	_ =	swait.ge @!p0 [sflag:s8], $0x0  }
0x24: {  	s3 =	sadd.s32 $0x88, s3;
	s6 =	simm.s32 @!p1 $0x1082;
	[sflag:s4] =	ssyncset.s32 $0xFFFFF086  }
0x25: {  	[simem:s6], [sflag:s4] =	dma.local [hbm:s3], $0xF7A  }
0x26: {  	[smem:$0x3F9C] =	sst s1;
	(tag) =	ssettag s2;
	_ =	strace s9  }
0x27: {  	s1 =	sld [smem:$0x3FAC]  }
0x28: {  	s2 =	sld [smem:$0x3FAD]  }
0x29: {  	s4 =	sld [smem:$0x3FAF]  }
0x2a: {  	p0 =	seq.s32 s5, $0x0;
	s5 =	sld [smem:$0x3FB0]  }
0x2b: {  	s6 =	sld [smem:$0x3FB1]  }
0x2c: {  	s7 =	sld [smem:$0x3FB2]  }
0x2d: {  	s3 =	simm.s32 $0x108;
	s8 =	sld [smem:$0x3FB3]  }
0x2e: {  	s3 =	simm.s32 @!p0 $0x1082;
	s9 =	sld [smem:$0x3FB4]  }
0x2f: {  	lr =	sadd.s32 s0, s3;
	s0 =	sld [smem:$0x3FAB]  }
0x30: {  	s3 =	sld [smem:$0x3FAE]  }
0x31: {  	[smem:$0x3FB7] =	sst s10  }
0x32: {  	s10 =	sld [smem:$0x3FB5];
	_ =	sdelay $0x3  }
0x33: {  	p0 =	seq.s32 s10, $0x1;
	s10 =	sld [smem:$0x3FB7];
	_ =	sdelay $0x3  }
0x34: {  	[smem:$0x3FB7] =	sst s10  }
0x35: {  	s10 =	sld [smem:$0x3FB6];
	_ =	sdelay $0x3  }
0x36: {  	p1 =	seq.s32 s10, $0x1;
	s10 =	sld [smem:$0x3FB7];
	_ =	sdelay $0x3  }
0x37: {  	[smem:$0x3FB7] =	sst s10  }
0x38: {  	s10 =	sld [smem:$0x3FB8]  }
0x39: {  	_ = 	snop;
	(pc) =	sbr.ind lr, $3  }
0x3a: {  	_ = 	snop  }
0x3b: {  	_ = 	snop  }
0x3c: {  	p2 =	seq.s32 s10, $0x1;
	s10 =	sld [smem:$0x3FB7]  }
0x3d: {  	_ =	shalt  }
0x3e: {  	_ =	shalt  }
0x3f: {  	_ =	shalt  }
0x40: {  	_ =	shalt  }
0x41: {  	_ =	shalt  }
0x42: {  	_ =	shalt  }
0x43: {  	_ =	shalt  }
0x44: {  	_ =	shalt  }
0x45: {  	_ =	shalt  }
0x46: {  	_ =	shalt  }
0x47: {  	_ =	shalt  }
0x48: {  	_ =	shalt  }
0x49: {  	_ =	shalt  }
0x4a: {  	_ =	shalt  }
0x4b: {  	_ =	shalt  }
0x4c: {  	_ =	shalt  }
0x4d: {  	_ =	shalt  }
0x4e: {  	_ =	shalt  }
0x4f: {  	_ =	shalt  }
0x50: {  	_ =	shalt  }
0x51: {  	_ =	shalt  }
0x52: {  	_ =	shalt  }
0x53: {  	_ =	shalt  }
0x54: {  	_ =	shalt  }
0x55: {  	_ =	shalt  }
0x56: {  	_ =	shalt  }
0x57: {  	_ =	shalt  }
0x58: {  	_ =	shalt  }
0x59: {  	_ =	shalt  }
0x5a: {  	_ =	shalt  }
0x5b: {  	_ =	shalt  }
0x5c: {  	_ =	shalt  }
0x5d: {  	_ =	shalt  }
0x5e: {  	_ =	shalt  }
0x5f: {  	_ =	shalt  }
0x60: {  	_ =	shalt  }
0x61: {  	_ =	shalt  }
0x62: {  	_ =	shalt  }
0x63: {  	_ =	shalt  }
0x64: {  	_ =	shalt  }
0x65: {  	_ =	shalt  }
0x66: {  	_ =	shalt  }
0x67: {  	_ =	shalt  }
0x68: {  	_ =	shalt  }
0x69: {  	_ =	shalt  }
0x6a: {  	_ =	shalt  }
0x6b: {  	_ =	shalt  }
0x6c: {  	_ =	shalt  }
0x6d: {  	_ =	shalt  }
0x6e: {  	_ =	shalt  }
0x6f: {  	_ =	shalt  }
0x70: {  	_ =	shalt  }
0x71: {  	_ =	shalt  }
0x72: {  	_ =	shalt  }
0x73: {  	_ =	shalt  }
0x74: {  	_ =	shalt  }
0x75: {  	_ =	shalt  }
0x76: {  	_ =	shalt  }
0x77: {  	_ =	shalt  }
0x78: {  	_ =	shalt  }
0x79: {  	_ =	shalt  }
0x7a: {  	_ =	shalt  }
0x7b: {  	_ =	shalt  }
0x7c: {  	_ =	shalt  }
0x7d: {  	_ =	shalt  }
0x7e: {  	_ =	shalt  }
0x7f: {  	_ =	shalt  }
0x80: {  	_ =	shalt  }
0x81: {  	_ =	shalt  }
0x82: {  	_ =	shalt  }
0x83: {  	_ =	shalt  }
0x84: {  	_ =	shalt  }
0x85: {  	_ =	shalt  }
0x86: {  	_ =	shalt  }
0x87: {  	_ =	shalt  }
.Lfunc_end0:
.L_simem_size_0:
called_computation_lowered:
.L_overlay_start_0:
0x88: {  	s2 =	sld [smem:$0x3FD9]  }
0x89: {  	s3 =	sld [smem:$0x3FFE];
	_ =	sdelay $0x1  }
0x8a: {  	s1 =	srdreg.scid  }
0x8b: {  	s0 =	sand.u32 $0x1, s1  }
0x8c: {  	s16 =	sshll.u32 s0, $0xA;
	s2 =	sadd.s32 s3, s2  }
0x8d: {  	s2 =	sadd.s32 s2, s16  }
0x8e: {  	[smem:$0x3FC3] =	sst s2  }
0x8f: {  	_ = 	snop  }
0x90: {  	(tm) =	ssettm $0x1  }
0x91: {  	s17 =	sld [smem:$0x3FFB];
	_ =	sdelay $0x3  }
0x92: {  	_ =	strace s17  }
0x93: {  	s2 =	sld [smem:$0x3FFC];
	_ =	sdelay $0x3  }
0x94: {  	_ =	strace s2  }
0x95: {  	s2 =	sld [smem:$0x3FFD];
	_ =	sdelay $0x3  }
0x96: {  	_ =	strace s2  }
0x97: {  	_ =	strace $0x8FFFFFFF  }
0x98: {  	s18 =	sld [smem:$0x3FDB];
	_ =	sdelay $0x1  }
0x99: {  	s19 =	simm.s32 $_scs_section_size  }
0x9a: {  	s4 =	simm.s32 $_size__tile_overlayer_lowered;
	s5 =	simm.s32 $_tile_overlayer_lowered  }
0x9b: {  	s22 =	simm.s32 $0x1BFF;
	s21 =	sshll.u32 s5, $0x1;
	s2 =	sadd.s32 s19, s18  }
0x9c: {  	s6 =	simm.s32 $0x0;
	s20 =	sshll.u32 s4, $0x1;
	s4 =	sadd.s32 s21, s2  }
0x9d: {  	[timem:s6], [sflag:s22] =	dma.local [hbm:s4], s20  }
0x9e: {  	_ =	swait.ge [sflag:s22], s20  }
0x9f: {  	s3 =	ssub.s32 $0x0, s20;
	[sflag:s22] =	ssyncset.done $0x0  }
0xa0: {  	[sflag:s22] =	ssyncadd.s32 s3;
	_ =	sdelay $0x1  }
0xa1: {  	s23 =	simm.s32 $0x1B8B  }
0xa2: {  	_ =	swait.ge [sflag:s23], $0x1  }
0xa3: {  	[sflag:s23] =	ssyncset.done $0x0  }
0xa4: {  	s25 =	simm.s32 $0x1B8E;
	s24 =	sld [smem:$0x3FFE];
	[sflag:s23] =	ssyncadd.s32 $0xFFFFFFFF  }
0xa5: {  	s26 =	simm.s32 $execute0_lowered;
	[smem:$0x3FD2] =	sst s25  }
0xa6: {  	s4 =	sshll.u32 s26, $0x1;
	_ =	strace $0x80000046;
	[dreg:$0x1] =	wrdreg $0xFFFFFFFF  }
0xa7: {  	s28 =	simm.s32 $_size_execute0_lowered;
	s2 =	sadd.s32 s2, s4;
	[dreg:$0x0] =	wrdreg $0x0  }
0xa8: {  	s4 =	sshll.u32 s28, $0x1;
	[dreg:$0x2] =	wrdreg s2  }
0xa9: {  	[dreg:$0x3] =	wrdreg s4  }
0xaa: {  	[dreg:$0x4] =	wrdreg $0xC0  }
0xab: {  	_ =	task [dreg:s6], $0x5FFFF  }
0xac: {  	[dreg:$0x1] =	wrdreg $0xFFFFFFFF  }
0xad: {  	[dreg:$0x0] =	wrdreg $0x60  }
0xae: {  	[dreg:$0x2] =	wrdreg s24  }
0xaf: {  	[dreg:$0x3] =	wrdreg $0x9  }
0xb0: {  	_ =	task.clear_ibuf [dreg:s6], $0x4FFFF;
	_ =	strace $0x90000046  }
0xb1: {  	s29 =	simm.s32 $0x9;
	_ =	strace $0x80000048  }
0xb2: {  	_ =	swait.ge [sflag:s29], $0x1  }
0xb3: {  	[sflag:s29] =	ssyncadd.s32 $0xFFFFFFFF  }
0xb4: {  	_ =	strace $0x90000048  }
0xb5: {  	_ =	sfence  }
0xb6: {  	s30 =	sld [smem:$0x0];
	_ =	sdelay $0x2  }
0xb7: {  	s31 =	sshll.u32 s1, $0xD;
	s1 =	sshrl.u32 s1, $0x2  }
0xb8: {  	s3 =	sand.u32 $0x4000, s31;
	s1 =	sadd.s32 s1, s30  }
0xb9: {  	s0 =	sor.u32 s3, s0;
	s1 =	sshll.u32 s1, $0x11  }
0xba: {  	s0 =	sor.u32 s1, s0  }
0xbb: {  	s0 =	sadd.s32 $0x8F2B, s0  }
0xbc: {  	[sflag:s0] =	ssyncadd.remote.s32 $0x1  }
0xbd: {  	_ =	sfence.sel $0xFFFF  }
0xbe: {  	[dreg:$0x0] =	wrdreg $0xFFFFFFFF;
	(pc) =	sbr.abs _section_cstart, $3  }
0xbf: {  	[dreg:$0x1] =	wrdreg $0xFFFFFFFF  }
0xc0: {  	_ =	task.clear_ibuf [dreg:s6], $0x2FFFF;
	_ =	strace $0x9FFFFFFF  }
0xc1: {  	(tm) =	ssettm $0x7FFFFFFF  }
tec
execute0_lowered:
.L_overlay_start_1:
0x0: {  	(tag) =	ssettag $0x1  }
0x1: {  	s0 =	stileid.u32  }
0x2: {  	s1 =	sshll.u32 s0, $0xA  }
0x3: {  	s4 =	rddreg [dreg:$0x0];
	s2 =	srdreg.scid;
	s0 =	sand.u32 $0x2000, s1  }
0x4: {  	s31 =	sadd.s32 s0, s4;
	s0 =	sand.u32 $0x1, s2;
	s2 =	simm.s32 $0x0  }
0x5: {  	s15 =	simm.s32 $0x1080;
	[smem:$0x7FF] =	sst s2  }
0x6: {  	s16 =	simm.s32 $0x100;
	_ =	strace $0x80000047;
	[dreg:$0x3] =	wrdreg s15  }
0x7: {  	s17 =	simm.s32 $0x1100;
	[dreg:$0x4] =	wrdreg s16  }
0x8: {  	s18 =	simm.s32 $0x180;
	[dreg:$0x5] =	wrdreg s17  }
0x9: {  	s19 =	simm.s32 $0x1180;
	[dreg:$0x6] =	wrdreg s18  }
0xa: {  	s20 =	simm.s32 $0x200;
	[dreg:$0x7] =	wrdreg s19  }
0xb: {  	s21 =	simm.s32 $0x1200;
	[dreg:$0x8] =	wrdreg s20  }
0xc: {  	s22 =	simm.s32 $0x280;
	[dreg:$0x9] =	wrdreg s21  }
0xd: {  	s24 =	simm.s32 $0x1280;
	[dreg:$0xa] =	wrdreg s22  }
0xe: {  	s25 =	simm.s32 $0x300;
	[dreg:$0xb] =	wrdreg s24  }
0xf: {  	s26 =	simm.s32 $0x1300;
	[dreg:$0xc] =	wrdreg s25  }
0x10: {  	s6 =	simm.s32 $0x1380;
	[dreg:$0xd] =	wrdreg s26  }
0x11: {  	s7 =	simm.s32 $0x400;
	[dreg:$0xf] =	wrdreg s6  }
0x12: {  	s8 =	simm.s32 $0x1400;
	[dreg:$0x10] =	wrdreg s7  }
0x13: {  	s9 =	simm.s32 $0x480;
	[dreg:$0x11] =	wrdreg s8  }
0x14: {  	s10 =	simm.s32 $0x1480;
	[dreg:$0x12] =	wrdreg s9  }
0x15: {  	s11 =	simm.s32 $0x500;
	[dreg:$0x13] =	wrdreg s10  }
0x16: {  	s12 =	simm.s32 $0x1500;
	[dreg:$0x14] =	wrdreg s11  }
0x17: {  	s13 =	simm.s32 $0x580;
	[dreg:$0x15] =	wrdreg s12  }
0x18: {  	s14 =	simm.s32 $0x1580;
	[dreg:$0x16] =	wrdreg s13  }
0x19: {  	[dreg:$0x17] =	wrdreg s14;
	s15 =	simm.s32 $0x600  }
0x1a: {  	s16 =	simm.s32 $0x1600;
	[dreg:$0x18] =	wrdreg s15  }
0x1b: {  	s17 =	simm.s32 $0x680;
	[dreg:$0x19] =	wrdreg s16  }
0x1c: {  	s18 =	simm.s32 $0x1680;
	[dreg:$0x1a] =	wrdreg s17  }
0x1d: {  	s19 =	simm.s32 $0x700;
	[dreg:$0x1b] =	wrdreg s18  }
0x1e: {  	s23 =	sand.u32 $0x1800, s1;
	s20 =	simm.s32 $0x1700;
	[dreg:$0x1c] =	wrdreg s19  }
0x1f: {  	s1 =	sand.u32 $0x400, s1;
	s21 =	simm.s32 $0x780;
	[dreg:$0x1d] =	wrdreg s20  }
0x20: {  	s3 =	sshll.u32 s0, $0x9;
	s22 =	simm.s32 $0x1780;
	[dreg:$0x1e] =	wrdreg s21  }
0x21: {  	s5 =	sadd.s32 s23, s31;
	s24 =	simm.s32 $0x800;
	[dreg:$0x1f] =	wrdreg s22  }
0x22: {  	s1 =	sor.u32 s3, s1;
	s6 =	simm.s32 $0x1800;
	[smem:$0x7FD] =	sst s24  }
0x23: {  	s3 =	sadd.s32 s1, s5;
	s5 =	simm.s32 $0x380;
	[smem:$0x7FC] =	sst s6  }
0x24: {  	s3 =	sadd.s32 $0x21000, s3;
	[dreg:$0xe] =	wrdreg s5  }
0x25: {  	[dreg:$0x2] =	wrdreg s3  }
0x26: {  	s3 =	simm.s32 $0x2;
	s25 =	rddreg [dreg:$0x2]  }
0x27: {  	[tilespmem:s2], [sflag:$0x2] =	stream.linear.gather [hbm4b:s25+s2], $0xE00, $0x38;
	[tilespmem:$0x2000] =	vst v63  }
0x28: {  	_ =	swait.ge [sflag:s3], $0xE00  }
0x29: {  	s7 =	sld [smem:$0x7FC]  }
0x2a: {  	s8 =	rddreg [dreg:$0x1f]  }
0x2b: {  	s9 =	rddreg [dreg:$0x1d]  }
0x2c: {  	s10 =	rddreg [dreg:$0x1b]  }
0x2d: {  	s11 =	rddreg [dreg:$0x19]  }
0x2e: {  	s12 =	rddreg [dreg:$0x17]  }
0x2f: {  	s13 =	rddreg [dreg:$0x15]  }
0x30: {  	s14 =	rddreg [dreg:$0x13]  }
0x31: {  	s15 =	rddreg [dreg:$0x11]  }
0x32: {  	s16 =	rddreg [dreg:$0xf]  }
0x33: {  	s17 =	rddreg [dreg:$0xd]  }
0x34: {  	s18 =	rddreg [dreg:$0x4]  }
0x35: {  	s19 =	rddreg [dreg:$0x3]  }
0x36: {  	s6 =	simm.s32 $0x80;
	s20 =	rddreg [dreg:$0x5]  }
0x37: {  	s5 =	sadd.s32 $0x1000, s4;
	[sflag:s3] =	ssyncset.done $0x0;
	s21 =	rddreg [dreg:$0x7]  }
0x38: {  	s4 =	simm.s32 $0x1000;
	s26 =	rddreg [dreg:$0x6];
	[sflag:s3] =	ssyncadd.s32 $0xFFFFF200  }
0x39: {  	[tilespmem:s4], [sflag:$0x1] =	stream.indirect.gather [hbm4b:s5+s6], $0x1, s2, s6, $0xb8;
	[tilespmem:$0x2000] =	vst v63  }
0x3a: {  	s22 =	rddreg [dreg:$0x9]  }
0x3b: {  	[tilespmem:s19], [sflag:$0x1] =	stream.indirect.gather [hbm4b:s5+s6], $0x1, s6, s6, $0xb8;
	[tilespmem:$0x2000] =	vst v63  }
0x3c: {  	s24 =	rddreg [dreg:$0x8]  }
0x3d: {  	[tilespmem:s20], [sflag:$0x1] =	stream.indirect.gather [hbm4b:s5+s6], $0x1, s18, s6, $0xb8;
	[tilespmem:$0x2000] =	vst v63  }
0x3e: {  	s25 =	rddreg [dreg:$0xb]  }
0x3f: {  	[tilespmem:s21], [sflag:$0x1] =	stream.indirect.gather [hbm4b:s5+s6], $0x1, s26, s6, $0xb8;
	[tilespmem:$0x2000] =	vst v63  }
0x40: {  	s19 =	rddreg [dreg:$0x1c]  }
0x41: {  	[tilespmem:s22], [sflag:$0x1] =	stream.indirect.gather [hbm4b:s5+s6], $0x1, s24, s6, $0xb8;
	[tilespmem:$0x2000] =	vst v63  }
0x42: {  	s26 =	rddreg [dreg:$0xa]  }
0x43: {  	[tilespmem:s25], [sflag:$0x1] =	stream.indirect.gather [hbm4b:s5+s6], $0x1, s26, s6, $0xb8;
	[tilespmem:$0x2000] =	vst v63  }
0x44: {  	s20 =	rddreg [dreg:$0xc]  }
0x45: {  	[tilespmem:s17], [sflag:$0x1] =	stream.indirect.gather [hbm4b:s5+s6], $0x1, s20, s6, $0xb8;
	[tilespmem:$0x2000] =	vst v63  }
0x46: {  	s22 =	rddreg [dreg:$0xe]  }
0x47: {  	[tilespmem:s16], [sflag:$0x1] =	stream.indirect.gather [hbm4b:s5+s6], $0x1, s22, s6, $0xb8;
	[tilespmem:$0x2000] =	vst v63  }
0x48: {  	s24 =	rddreg [dreg:$0x10]  }
0x49: {  	[tilespmem:s15], [sflag:$0x1] =	stream.indirect.gather [hbm4b:s5+s6], $0x1, s24, s6, $0xb8;
	[tilespmem:$0x2000] =	vst v63  }
0x4a: {  	s25 =	rddreg [dreg:$0x12]  }
0x4b: {  	[tilespmem:s14], [sflag:$0x1] =	stream.indirect.gather [hbm4b:s5+s6], $0x1, s25, s6, $0xb8;
	[tilespmem:$0x2000] =	vst v63  }
0x4c: {  	s26 =	rddreg [dreg:$0x14]  }
0x4d: {  	[tilespmem:s13], [sflag:$0x1] =	stream.indirect.gather [hbm4b:s5+s6], $0x1, s26, s6, $0xb8;
	[tilespmem:$0x2000] =	vst v63  }
0x4e: {  	s16 =	rddreg [dreg:$0x16]  }
0x4f: {  	[tilespmem:s12], [sflag:$0x1] =	stream.indirect.gather [hbm4b:s5+s6], $0x1, s16, s6, $0xb8;
	[tilespmem:$0x2000] =	vst v63  }
0x50: {  	s17 =	rddreg [dreg:$0x18]  }
0x51: {  	[tilespmem:s11], [sflag:$0x1] =	stream.indirect.gather [hbm4b:s5+s6], $0x1, s17, s6, $0xb8;
	[tilespmem:$0x2000] =	vst v63  }
0x52: {  	s18 =	rddreg [dreg:$0x1a]  }
0x53: {  	[tilespmem:s10], [sflag:$0x1] =	stream.indirect.gather [hbm4b:s5+s6], $0x1, s18, s6, $0xb8;
	[tilespmem:$0x2000] =	vst v63  }
0x54: {  	s21 =	sld [smem:$0x7FD]  }
0x55: {  	[tilespmem:s9], [sflag:$0x1] =	stream.indirect.gather [hbm4b:s5+s6], $0x1, s19, s6, $0xb8;
	[tilespmem:$0x2000] =	vst v63  }
0x56: {  	s20 =	rddreg [dreg:$0x1e]  }
0x57: {  	[tilespmem:s8], [sflag:$0x1] =	stream.indirect.gather [hbm4b:s5+s6], $0x1, s20, s6, $0xb8;
	[tilespmem:$0x2000] =	vst v63  }
0x58: {  	_ = 	snop  }
0x59: {  	[tilespmem:s7], [sflag:$0x1] =	stream.indirect.gather [hbm4b:s5+s6], $0x1, s21, s6, $0xb8;
	[tilespmem:$0x2000] =	vst v63  }
0x5a: {  	s22 =	simm.s32 $0x880;
	s24 =	simm.s32 $0x1880  }
0x5b: {  	[tilespmem:s24], [sflag:$0x1] =	stream.indirect.gather [hbm4b:s5+s6], $0x1, s22, s6, $0xb8;
	[tilespmem:$0x2000] =	vst v63  }
0x5c: {  	s25 =	simm.s32 $0x900;
	s26 =	simm.s32 $0x1900  }
0x5d: {  	[tilespmem:s26], [sflag:$0x1] =	stream.indirect.gather [hbm4b:s5+s6], $0x1, s25, s6, $0xb8;
	[tilespmem:$0x2000] =	vst v63  }
0x5e: {  	s9 =	simm.s32 $0x1980;
	s8 =	simm.s32 $0x980  }
0x5f: {  	[tilespmem:s9], [sflag:$0x1] =	stream.indirect.gather [hbm4b:s5+s6], $0x1, s8, s6, $0xb8;
	[tilespmem:$0x2000] =	vst v63  }
0x60: {  	s11 =	simm.s32 $0x1A00;
	s10 =	simm.s32 $0xA00  }
0x61: {  	[tilespmem:s11], [sflag:$0x1] =	stream.indirect.gather [hbm4b:s5+s6], $0x1, s10, s6, $0xb8;
	[tilespmem:$0x2000] =	vst v63  }
0x62: {  	s13 =	simm.s32 $0x1A80;
	s12 =	simm.s32 $0xA80  }
0x63: {  	[tilespmem:s13], [sflag:$0x1] =	stream.indirect.gather [hbm4b:s5+s6], $0x1, s12, s6, $0xb8;
	[tilespmem:$0x2000] =	vst v63  }
0x64: {  	s15 =	simm.s32 $0x1B00;
	s14 =	simm.s32 $0xB00  }
0x65: {  	[tilespmem:s15], [sflag:$0x1] =	stream.indirect.gather [hbm4b:s5+s6], $0x1, s14, s6, $0xb8;
	[tilespmem:$0x2000] =	vst v63  }
0x66: {  	s16 =	simm.s32 $0xB80;
	s17 =	simm.s32 $0x1B80  }
0x67: {  	[tilespmem:s17], [sflag:$0x1] =	stream.indirect.gather [hbm4b:s5+s6], $0x1, s16, s6, $0xb8;
	[tilespmem:$0x2000] =	vst v63  }
0x68: {  	s18 =	simm.s32 $0xC00;
	s19 =	simm.s32 $0x1C00  }
0x69: {  	[tilespmem:s19], [sflag:$0x1] =	stream.indirect.gather [hbm4b:s5+s6], $0x1, s18, s6, $0xb8;
	[tilespmem:$0x2000] =	vst v63  }
0x6a: {  	s24 =	simm.s32 $0xC80;
	s25 =	simm.s32 $0x1C80  }
0x6b: {  	[tilespmem:s25], [sflag:$0x1] =	stream.indirect.gather [hbm4b:s5+s6], $0x1, s24, s6, $0xb8;
	[tilespmem:$0x2000] =	vst v63  }
0x6c: {  	s28 =	simm.s32 $0x1D00;
	s26 =	simm.s32 $0xD00  }
0x6d: {  	[tilespmem:s28], [sflag:$0x1] =	stream.indirect.gather [hbm4b:s5+s6], $0x1, s26, s6, $0xb8;
	[tilespmem:$0x2000] =	vst v63  }
0x6e: {  	s29 =	simm.s32 $0xD80;
	s30 =	simm.s32 $0x1D80;
	s22 =	simm.s32 $0x1  }
0x6f: {  	[tilespmem:s30], [sflag:$0x1] =	stream.indirect.gather [hbm4b:s5+s6], $0x1, s29, s6, $0xb8;
	[tilespmem:$0x2000] =	vst v63  }
0x70: {  	_ =	swait.ge [sflag:s22], $0x80  }
0x71: {  	[sflag:s22] =	ssyncset.done $0x0  }
0x72: {  	[sflag:s22] =	ssyncadd.s32 $0xFFFFFF80  }
0x73: {  	_ =	swait.ge [sflag:s22], $0x80  }
0x74: {  	[sflag:s22] =	ssyncset.done $0x0  }
0x75: {  	[sflag:s22] =	ssyncadd.s32 $0xFFFFFF80  }
0x76: {  	_ =	swait.ge [sflag:s22], $0x80  }
0x77: {  	[sflag:s22] =	ssyncset.done $0x0  }
0x78: {  	[sflag:s22] =	ssyncadd.s32 $0xFFFFFF80  }
0x79: {  	_ =	swait.ge [sflag:s22], $0x80  }
0x7a: {  	[sflag:s22] =	ssyncset.done $0x0  }
0x7b: {  	[sflag:s22] =	ssyncadd.s32 $0xFFFFFF80  }
0x7c: {  	_ =	swait.ge [sflag:s22], $0x80  }
0x7d: {  	[sflag:s22] =	ssyncset.done $0x0  }
0x7e: {  	[sflag:s22] =	ssyncadd.s32 $0xFFFFFF80  }
0x7f: {  	_ =	swait.ge [sflag:s22], $0x80  }
0x80: {  	[sflag:s22] =	ssyncset.done $0x0  }
0x81: {  	[sflag:s22] =	ssyncadd.s32 $0xFFFFFF80  }
0x82: {  	_ =	swait.ge [sflag:s22], $0x80  }
0x83: {  	[sflag:s22] =	ssyncset.done $0x0  }
0x84: {  	[sflag:s22] =	ssyncadd.s32 $0xFFFFFF80  }
0x85: {  	_ =	swait.ge [sflag:s22], $0x80  }
0x86: {  	[sflag:s22] =	ssyncset.done $0x0  }
0x87: {  	[sflag:s22] =	ssyncadd.s32 $0xFFFFFF80  }
0x88: {  	_ =	swait.ge [sflag:s22], $0x80  }
0x89: {  	[sflag:s22] =	ssyncset.done $0x0  }
0x8a: {  	[sflag:s22] =	ssyncadd.s32 $0xFFFFFF80  }
0x8b: {  	_ =	swait.ge [sflag:s22], $0x80  }
0x8c: {  	[sflag:s22] =	ssyncset.done $0x0  }
0x8d: {  	[sflag:s22] =	ssyncadd.s32 $0xFFFFFF80  }
0x8e: {  	_ =	swait.ge [sflag:s22], $0x80  }
0x8f: {  	[sflag:s22] =	ssyncset.done $0x0  }
0x90: {  	[sflag:s22] =	ssyncadd.s32 $0xFFFFFF80  }
0x91: {  	_ =	swait.ge [sflag:s22], $0x80  }
0x92: {  	[sflag:s22] =	ssyncset.done $0x0  }
0x93: {  	[sflag:s22] =	ssyncadd.s32 $0xFFFFFF80  }
0x94: {  	_ =	swait.ge [sflag:s22], $0x80  }
0x95: {  	[sflag:s22] =	ssyncset.done $0x0  }
0x96: {  	[sflag:s22] =	ssyncadd.s32 $0xFFFFFF80  }
0x97: {  	_ =	swait.ge [sflag:s22], $0x80  }
0x98: {  	[sflag:s22] =	ssyncset.done $0x0  }
0x99: {  	[sflag:s22] =	ssyncadd.s32 $0xFFFFFF80  }
0x9a: {  	_ =	swait.ge [sflag:s22], $0x80  }
0x9b: {  	[sflag:s22] =	ssyncset.done $0x0  }
0x9c: {  	[sflag:s22] =	ssyncadd.s32 $0xFFFFFF80  }
0x9d: {  	_ =	swait.ge [sflag:s22], $0x80  }
0x9e: {  	[sflag:s22] =	ssyncset.done $0x0  }
0x9f: {  	[sflag:s22] =	ssyncadd.s32 $0xFFFFFF80  }
0xa0: {  	_ =	swait.ge [sflag:s22], $0x80  }
0xa1: {  	[sflag:s22] =	ssyncset.done $0x0  }
0xa2: {  	[sflag:s22] =	ssyncadd.s32 $0xFFFFFF80  }
0xa3: {  	_ =	swait.ge [sflag:s22], $0x80  }
0xa4: {  	[sflag:s22] =	ssyncset.done $0x0  }
0xa5: {  	[sflag:s22] =	ssyncadd.s32 $0xFFFFFF80  }
0xa6: {  	_ =	swait.ge [sflag:s22], $0x80  }
0xa7: {  	[sflag:s22] =	ssyncset.done $0x0  }
0xa8: {  	[sflag:s22] =	ssyncadd.s32 $0xFFFFFF80  }
0xa9: {  	_ =	swait.ge [sflag:s22], $0x80  }
0xaa: {  	[sflag:s22] =	ssyncset.done $0x0  }
0xab: {  	[sflag:s22] =	ssyncadd.s32 $0xFFFFFF80  }
0xac: {  	_ =	swait.ge [sflag:s22], $0x80  }
0xad: {  	[sflag:s22] =	ssyncset.done $0x0  }
0xae: {  	[sflag:s22] =	ssyncadd.s32 $0xFFFFFF80  }
0xaf: {  	s0 =	ssub.s32 $0x2, s0;
	_ =	swait.ge [sflag:s22], $0x80  }
0xb0: {  	s20 =	sshrl.u32 s0, $0x1;
	[sflag:s22] =	ssyncset.done $0x0  }
0xb1: {  	s0 =	ssub.s32 s0, s20;
	[sflag:s22] =	ssyncadd.s32 $0xFFFFFF80  }
0xb2: {  	s0 =	smax.u32 s0, $0x1;
	_ =	swait.ge [sflag:s22], $0x80  }
0xb3: {  	p0 =	sne.s32 s0, $0x1;
	[sflag:s22] =	ssyncset.done $0x0  }
.Ltmp0:
0xb4: {  	[sflag:s22] =	ssyncadd.s32 $0xFFFFFF80;
	(pc) =	sbr.rel @!p0 .LBB2_2-.Ltmp0, $4  }
0xb5: {  	_ =	swait.ge [sflag:s22], $0x80  }
0xb6: {  	s21 =	sadd.s32 $0x25000, s31;
	[sflag:s22] =	ssyncset.done $0x0  }
0xb7: {  	s7 =	sadd.s32 s23, s21;
	[sflag:s22] =	ssyncadd.s32 $0xFFFFFF80  }
0xb8: {  	s31 =	sadd.s32 s1, s7;
	s1 =	sadd.s32 $0xFFFFFFFF, s0;
	_ =	swait.ge [sflag:s22], $0x80  }
.LBB2_1:
0xb9: {  	[sflag:s22] =	ssyncset.done $0x0  }
0xba: {  	[sflag:s22] =	ssyncadd.s32 $0xFFFFFF80  }
0xbb: {  	_ =	swait.ge [sflag:s22], $0x80  }
0xbc: {  	[sflag:s22] =	ssyncset.done $0x0  }
0xbd: {  	[sflag:s22] =	ssyncadd.s32 $0xFFFFFF80  }
0xbe: {  	_ =	swait.ge [sflag:s22], $0x80  }
0xbf: {  	[sflag:s22] =	ssyncset.done $0x0  }
0xc0: {  	[sflag:s22] =	ssyncadd.s32 $0xFFFFFF80  }
0xc1: {  	_ =	swait.ge [sflag:s22], $0x80  }
0xc2: {  	[sflag:s22] =	ssyncset.done $0x0  }
0xc3: {  	[sflag:s22] =	ssyncadd.s32 $0xFFFFFF80  }
0xc4: {  	[hbm4b:s31+s2] =	stream.linear.scatter [tilespmem:s4], [sflag:$0x2], $0xE00, $0x38;
	[tilespmem:$0x2000] =	vst v63  }
0xc5: {  	_ =	swait.ge [sflag:s3], $0xE00  }
0xc6: {  	[sflag:s3] =	ssyncset.done $0x0  }
0xc7: {  	s0 =	rddreg [dreg:$0x2];
	[sflag:s3] =	ssyncadd.s32 $0xFFFFF200  }
0xc8: {  	[tilespmem:s2], [sflag:$0x2] =	stream.linear.gather [hbm4b:s0+s2], $0xE00, $0x38;
	[tilespmem:$0x2000] =	vst v63  }
0xc9: {  	_ =	swait.ge [sflag:s3], $0xE00  }
0xca: {  	s0 =	sld [smem:$0x7FC]  }
0xcb: {  	s7 =	rddreg [dreg:$0x1f]  }
0xcc: {  	s8 =	rddreg [dreg:$0x1d]  }
0xcd: {  	s9 =	rddreg [dreg:$0x1b]  }
0xce: {  	s10 =	rddreg [dreg:$0x19]  }
0xcf: {  	s11 =	rddreg [dreg:$0x17]  }
0xd0: {  	s12 =	rddreg [dreg:$0x15]  }
0xd1: {  	s13 =	rddreg [dreg:$0x13]  }
0xd2: {  	s14 =	rddreg [dreg:$0x11]  }
0xd3: {  	s15 =	rddreg [dreg:$0xf]  }
0xd4: {  	s16 =	rddreg [dreg:$0xd]  }
0xd5: {  	s17 =	rddreg [dreg:$0xb]  }
0xd6: {  	s18 =	rddreg [dreg:$0x9]  }
0xd7: {  	s19 =	rddreg [dreg:$0x4]  }
0xd8: {  	[sflag:s3] =	ssyncset.done $0x0;
	s20 =	rddreg [dreg:$0x3]  }
0xd9: {  	s21 =	rddreg [dreg:$0x5];
	[sflag:s3] =	ssyncadd.s32 $0xFFFFF200  }
0xda: {  	[tilespmem:s4], [sflag:$0x1] =	stream.indirect.gather [hbm4b:s5+s6], $0x1, s2, s6, $0xb8;
	[tilespmem:$0x2000] =	vst v63  }
0xdb: {  	s23 =	rddreg [dreg:$0x7]  }
0xdc: {  	[tilespmem:s20], [sflag:$0x1] =	stream.indirect.gather [hbm4b:s5+s6], $0x1, s6, s6, $0xb8;
	[tilespmem:$0x2000] =	vst v63  }
0xdd: {  	s20 =	rddreg [dreg:$0x6]  }
0xde: {  	[tilespmem:s21], [sflag:$0x1] =	stream.indirect.gather [hbm4b:s5+s6], $0x1, s19, s6, $0xb8;
	[tilespmem:$0x2000] =	vst v63  }
0xdf: {  	s21 =	rddreg [dreg:$0x8]  }
0xe0: {  	[tilespmem:s23], [sflag:$0x1] =	stream.indirect.gather [hbm4b:s5+s6], $0x1, s20, s6, $0xb8;
	[tilespmem:$0x2000] =	vst v63  }
0xe1: {  	s19 =	rddreg [dreg:$0xc]  }
0xe2: {  	[tilespmem:s18], [sflag:$0x1] =	stream.indirect.gather [hbm4b:s5+s6], $0x1, s21, s6, $0xb8;
	[tilespmem:$0x2000] =	vst v63  }
0xe3: {  	s23 =	rddreg [dreg:$0xa]  }
0xe4: {  	[tilespmem:s17], [sflag:$0x1] =	stream.indirect.gather [hbm4b:s5+s6], $0x1, s23, s6, $0xb8;
	[tilespmem:$0x2000] =	vst v63  }
0xe5: {  	s20 =	rddreg [dreg:$0xe]  }
0xe6: {  	[tilespmem:s16], [sflag:$0x1] =	stream.indirect.gather [hbm4b:s5+s6], $0x1, s19, s6, $0xb8;
	[tilespmem:$0x2000] =	vst v63  }
0xe7: {  	s21 =	rddreg [dreg:$0x10]  }
0xe8: {  	[tilespmem:s15], [sflag:$0x1] =	stream.indirect.gather [hbm4b:s5+s6], $0x1, s20, s6, $0xb8;
	[tilespmem:$0x2000] =	vst v63  }
0xe9: {  	s18 =	rddreg [dreg:$0x18]  }
0xea: {  	[tilespmem:s14], [sflag:$0x1] =	stream.indirect.gather [hbm4b:s5+s6], $0x1, s21, s6, $0xb8;
	[tilespmem:$0x2000] =	vst v63  }
0xeb: {  	s23 =	rddreg [dreg:$0x12]  }
0xec: {  	[tilespmem:s13], [sflag:$0x1] =	stream.indirect.gather [hbm4b:s5+s6], $0x1, s23, s6, $0xb8;
	[tilespmem:$0x2000] =	vst v63  }
0xed: {  	s16 =	rddreg [dreg:$0x14]  }
0xee: {  	[tilespmem:s12], [sflag:$0x1] =	stream.indirect.gather [hbm4b:s5+s6], $0x1, s16, s6, $0xb8;
	[tilespmem:$0x2000] =	vst v63  }
0xef: {  	s17 =	rddreg [dreg:$0x16]  }
0xf0: {  	[tilespmem:s11], [sflag:$0x1] =	stream.indirect.gather [hbm4b:s5+s6], $0x1, s17, s6, $0xb8;
	[tilespmem:$0x2000] =	vst v63  }
0xf1: {  	s19 =	rddreg [dreg:$0x1a]  }
0xf2: {  	[tilespmem:s10], [sflag:$0x1] =	stream.indirect.gather [hbm4b:s5+s6], $0x1, s18, s6, $0xb8;
	[tilespmem:$0x2000] =	vst v63  }
0xf3: {  	s20 =	rddreg [dreg:$0x1c]  }
0xf4: {  	[tilespmem:s9], [sflag:$0x1] =	stream.indirect.gather [hbm4b:s5+s6], $0x1, s19, s6, $0xb8;
	[tilespmem:$0x2000] =	vst v63  }
0xf5: {  	s21 =	rddreg [dreg:$0x1e]  }
0xf6: {  	[tilespmem:s8], [sflag:$0x1] =	stream.indirect.gather [hbm4b:s5+s6], $0x1, s20, s6, $0xb8;
	[tilespmem:$0x2000] =	vst v63  }
0xf7: {  	s23 =	sld [smem:$0x7FD]  }
0xf8: {  	[tilespmem:s7], [sflag:$0x1] =	stream.indirect.gather [hbm4b:s5+s6], $0x1, s21, s6, $0xb8;
	[tilespmem:$0x2000] =	vst v63  }
0xf9: {  	_ = 	snop  }
0xfa: {  	[tilespmem:s0], [sflag:$0x1] =	stream.indirect.gather [hbm4b:s5+s6], $0x1, s23, s6, $0xb8;
	[tilespmem:$0x2000] =	vst v63  }
0xfb: {  	s8 =	simm.s32 $0x1880;
	s7 =	simm.s32 $0x880  }
0xfc: {  	[tilespmem:s8], [sflag:$0x1] =	stream.indirect.gather [hbm4b:s5+s6], $0x1, s7, s6, $0xb8;
	[tilespmem:$0x2000] =	vst v63  }
0xfd: {  	s10 =	simm.s32 $0x1900;
	s9 =	simm.s32 $0x900  }
0xfe: {  	[tilespmem:s10], [sflag:$0x1] =	stream.indirect.gather [hbm4b:s5+s6], $0x1, s9, s6, $0xb8;
	[tilespmem:$0x2000] =	vst v63  }
0xff: {  	s12 =	simm.s32 $0x1980;
	s11 =	simm.s32 $0x980  }
0x100: {  	[tilespmem:s12], [sflag:$0x1] =	stream.indirect.gather [hbm4b:s5+s6], $0x1, s11, s6, $0xb8;
	[tilespmem:$0x2000] =	vst v63  }
0x101: {  	s14 =	simm.s32 $0x1A00;
	s13 =	simm.s32 $0xA00  }
0x102: {  	[tilespmem:s14], [sflag:$0x1] =	stream.indirect.gather [hbm4b:s5+s6], $0x1, s13, s6, $0xb8;
	[tilespmem:$0x2000] =	vst v63  }
0x103: {  	s15 =	simm.s32 $0xA80;
	s16 =	simm.s32 $0x1A80  }
0x104: {  	[tilespmem:s16], [sflag:$0x1] =	stream.indirect.gather [hbm4b:s5+s6], $0x1, s15, s6, $0xb8;
	[tilespmem:$0x2000] =	vst v63  }
0x105: {  	s17 =	simm.s32 $0xB00;
	s18 =	simm.s32 $0x1B00  }
0x106: {  	[tilespmem:s18], [sflag:$0x1] =	stream.indirect.gather [hbm4b:s5+s6], $0x1, s17, s6, $0xb8;
	[tilespmem:$0x2000] =	vst v63  }
0x107: {  	s19 =	simm.s32 $0xB80;
	s20 =	simm.s32 $0x1B80  }
0x108: {  	[tilespmem:s20], [sflag:$0x1] =	stream.indirect.gather [hbm4b:s5+s6], $0x1, s19, s6, $0xb8;
	[tilespmem:$0x2000] =	vst v63  }
0x109: {  	s21 =	simm.s32 $0xC00;
	s23 =	simm.s32 $0x1C00  }
0x10a: {  	[tilespmem:s23], [sflag:$0x1] =	stream.indirect.gather [hbm4b:s5+s6], $0x1, s21, s6, $0xb8;
	[tilespmem:$0x2000] =	vst v63  }
0x10b: {  	_ = 	snop  }
0x10c: {  	[tilespmem:s25], [sflag:$0x1] =	stream.indirect.gather [hbm4b:s5+s6], $0x1, s24, s6, $0xb8;
	[tilespmem:$0x2000] =	vst v63  }
0x10d: {  	_ = 	snop  }
0x10e: {  	[tilespmem:s28], [sflag:$0x1] =	stream.indirect.gather [hbm4b:s5+s6], $0x1, s26, s6, $0xb8;
	[tilespmem:$0x2000] =	vst v63  }
0x10f: {  	_ = 	snop  }
0x110: {  	[tilespmem:s30], [sflag:$0x1] =	stream.indirect.gather [hbm4b:s5+s6], $0x1, s29, s6, $0xb8;
	[tilespmem:$0x2000] =	vst v63  }
0x111: {  	_ =	swait.ge [sflag:s22], $0x80  }
0x112: {  	[sflag:s22] =	ssyncset.done $0x0  }
0x113: {  	[sflag:s22] =	ssyncadd.s32 $0xFFFFFF80  }
0x114: {  	_ =	swait.ge [sflag:s22], $0x80  }
0x115: {  	[sflag:s22] =	ssyncset.done $0x0  }
0x116: {  	[sflag:s22] =	ssyncadd.s32 $0xFFFFFF80  }
0x117: {  	_ =	swait.ge [sflag:s22], $0x80  }
0x118: {  	[sflag:s22] =	ssyncset.done $0x0  }
0x119: {  	[sflag:s22] =	ssyncadd.s32 $0xFFFFFF80  }
0x11a: {  	_ =	swait.ge [sflag:s22], $0x80  }
0x11b: {  	[sflag:s22] =	ssyncset.done $0x0  }
0x11c: {  	[sflag:s22] =	ssyncadd.s32 $0xFFFFFF80  }
0x11d: {  	_ =	swait.ge [sflag:s22], $0x80  }
0x11e: {  	[sflag:s22] =	ssyncset.done $0x0  }
0x11f: {  	[sflag:s22] =	ssyncadd.s32 $0xFFFFFF80  }
0x120: {  	_ =	swait.ge [sflag:s22], $0x80  }
0x121: {  	[sflag:s22] =	ssyncset.done $0x0  }
0x122: {  	[sflag:s22] =	ssyncadd.s32 $0xFFFFFF80  }
0x123: {  	_ =	swait.ge [sflag:s22], $0x80  }
0x124: {  	[sflag:s22] =	ssyncset.done $0x0  }
0x125: {  	[sflag:s22] =	ssyncadd.s32 $0xFFFFFF80  }
0x126: {  	_ =	swait.ge [sflag:s22], $0x80  }
0x127: {  	[sflag:s22] =	ssyncset.done $0x0  }
0x128: {  	[sflag:s22] =	ssyncadd.s32 $0xFFFFFF80  }
0x129: {  	_ =	swait.ge [sflag:s22], $0x80  }
0x12a: {  	[sflag:s22] =	ssyncset.done $0x0  }
0x12b: {  	[sflag:s22] =	ssyncadd.s32 $0xFFFFFF80  }
0x12c: {  	_ =	swait.ge [sflag:s22], $0x80  }
0x12d: {  	[sflag:s22] =	ssyncset.done $0x0  }
0x12e: {  	[sflag:s22] =	ssyncadd.s32 $0xFFFFFF80  }
0x12f: {  	_ =	swait.ge [sflag:s22], $0x80  }
0x130: {  	[sflag:s22] =	ssyncset.done $0x0  }
0x131: {  	[sflag:s22] =	ssyncadd.s32 $0xFFFFFF80  }
0x132: {  	_ =	swait.ge [sflag:s22], $0x80  }
0x133: {  	[sflag:s22] =	ssyncset.done $0x0  }
0x134: {  	[sflag:s22] =	ssyncadd.s32 $0xFFFFFF80  }
0x135: {  	_ =	swait.ge [sflag:s22], $0x80  }
0x136: {  	[sflag:s22] =	ssyncset.done $0x0  }
0x137: {  	[sflag:s22] =	ssyncadd.s32 $0xFFFFFF80  }
0x138: {  	_ =	swait.ge [sflag:s22], $0x80  }
0x139: {  	[sflag:s22] =	ssyncset.done $0x0  }
0x13a: {  	[sflag:s22] =	ssyncadd.s32 $0xFFFFFF80  }
0x13b: {  	_ =	swait.ge [sflag:s22], $0x80  }
0x13c: {  	[sflag:s22] =	ssyncset.done $0x0  }
0x13d: {  	[sflag:s22] =	ssyncadd.s32 $0xFFFFFF80  }
0x13e: {  	_ =	swait.ge [sflag:s22], $0x80  }
0x13f: {  	[sflag:s22] =	ssyncset.done $0x0  }
0x140: {  	[sflag:s22] =	ssyncadd.s32 $0xFFFFFF80  }
0x141: {  	_ =	swait.ge [sflag:s22], $0x80  }
0x142: {  	[sflag:s22] =	ssyncset.done $0x0  }
0x143: {  	[sflag:s22] =	ssyncadd.s32 $0xFFFFFF80  }
0x144: {  	_ =	swait.ge [sflag:s22], $0x80  }
0x145: {  	[sflag:s22] =	ssyncset.done $0x0  }
0x146: {  	[sflag:s22] =	ssyncadd.s32 $0xFFFFFF80  }
0x147: {  	_ =	swait.ge [sflag:s22], $0x80  }
0x148: {  	[sflag:s22] =	ssyncset.done $0x0  }
0x149: {  	[sflag:s22] =	ssyncadd.s32 $0xFFFFFF80  }
0x14a: {  	_ =	swait.ge [sflag:s22], $0x80  }
0x14b: {  	[sflag:s22] =	ssyncset.done $0x0  }
0x14c: {  	[sflag:s22] =	ssyncadd.s32 $0xFFFFFF80  }
0x14d: {  	_ =	swait.ge [sflag:s22], $0x80  }
0x14e: {  	[sflag:s22] =	ssyncset.done $0x0  }
0x14f: {  	[sflag:s22] =	ssyncadd.s32 $0xFFFFFF80  }
0x150: {  	_ =	swait.ge [sflag:s22], $0x80  }
0x151: {  	[sflag:s22] =	ssyncset.done $0x0  }
0x152: {  	[sflag:s22] =	ssyncadd.s32 $0xFFFFFF80  }
0x153: {  	_ =	swait.ge [sflag:s22], $0x80  }
0x154: {  	p0 =	sne.s32 s1, $0x1;
	[sflag:s22] =	ssyncset.done $0x0  }
.Ltmp1:
0x155: {  	[sflag:s22] =	ssyncadd.s32 $0xFFFFFF80;
	(pc) =	sbr.rel @p0 .LBB2_1-.Ltmp1, $4  }
0x156: {  	_ =	swait.ge [sflag:s22], $0x80  }
0x157: {  	[sflag:s22] =	ssyncset.done $0x0  }
0x158: {  	[sflag:s22] =	ssyncadd.s32 $0xFFFFFF80  }
0x159: {  	s1 =	sadd.s32 $0xFFFFFFFF, s1;
	_ =	swait.ge [sflag:s22], $0x80  }
.LBB2_2:
0x15a: {  	[sflag:s22] =	ssyncset.done $0x0  }
0x15b: {  	[sflag:s22] =	ssyncadd.s32 $0xFFFFFF80  }
0x15c: {  	_ =	swait.ge [sflag:s22], $0x80  }
0x15d: {  	[sflag:s22] =	ssyncset.done $0x0  }
0x15e: {  	[sflag:s22] =	ssyncadd.s32 $0xFFFFFF80  }
0x15f: {  	_ =	swait.ge [sflag:s22], $0x80  }
0x160: {  	[sflag:s22] =	ssyncset.done $0x0  }
0x161: {  	[sflag:s22] =	ssyncadd.s32 $0xFFFFFF80  }
0x162: {  	_ =	swait.ge [sflag:s22], $0x80  }
0x163: {  	[sflag:s22] =	ssyncset.done $0x0  }
0x164: {  	[sflag:s22] =	ssyncadd.s32 $0xFFFFFF80  }
0x165: {  	[hbm4b:s31+s2] =	stream.linear.scatter [tilespmem:s4], [sflag:$0x2], $0xE00, $0x38;
	[tilespmem:$0x2000] =	vst v63  }
0x166: {  	_ =	swait.ge [sflag:s3], $0xE00  }
0x167: {  	[sflag:s3] =	ssyncset.done $0x0  }
0x168: {  	[sflag:s3] =	ssyncadd.s32 $0xFFFFF200  }
0x169: {  	_ =	sfence.sel $0x180000  }
0x16a: {  	[bflag:$0x0] =	sbarrier.arrive $0xFFFF  }
0x16b: {  	_ =	strace $0x90000047  }
0x16c: {  	s0 =	stileid.u32;
	[bflag:$0x2] =	sbarrier.arrive $0xFFFF  }
0x16d: {  	p0 =	sne.s32 s0, $0x0;
	s0 =	rddreg [dreg:$0x1]  }
0x16e: {  	s0 =	sadd.s32 @!p0 $0x100000, s0  }
0x16f: {  	[sflag:s0] =	ssyncadd.tile.s32 @!p0 $0x1;
	_ =	shalt  }
.Lfunc_end2:
_tile_overlayer_lowered:
.L_overlay_start_2:
0x170: {  	(tag) =	ssettag $0x2  }
0x171: {  	s0 =	rddreg [dreg:$0x0];
	s2 =	stileid.u32  }
0x172: {  	s1 =	rddreg [dreg:$0x1];
	p0 =	sne.s32 s2, $0x0  }
0x173: {  	s3 =	rddreg [dreg:$0x2];
	[bflag:$0x3] =	sbarrier.arrive $0xFFFF;
	s2 =	simm.s32 @!p0 $0x1C02  }
0x174: {  	[timem:s3], [sflag:s2] =	dma.local @!p0 [hbm:s0], s1  }
0x175: {  	s0 =	simm.s32 @!p0 $0x2  }
0x176: {  	_ =	swait.ge @!p0 [sflag:s0], s1  }
0x177: {  	s1 =	ssub.s32 @!p0 $0x0, s1;
	[sflag:s0] =	ssyncset.done @!p0 $0x0  }
0x178: {  	[sflag:s0] =	ssyncadd.s32 @!p0 s1  }
0x179: {  	[bflag:$0x3] =	sbarrier.arrive $0xFFFF  }
0x17a: {  	_ =	shalt  }

</sc_bundles>
